<compile_context>
chip_gen: v7x
topology: tpu7x:2x2x1
jax: 0.10.2.dev20260603
libtpu: 0.0.44.dev20260713+nightly
codegen_flags: <defaults>
</compile_context>

<pallas_src>
import jax
import jax.numpy as jnp
from jax import lax
from jax.experimental import pallas as pl
from jax.experimental.pallas import tpu as pltpu
from jax.experimental.pallas import tpu_sc as plsc

N = 1048576
B = 32768
NELEM = 119
L = 16
NC, NS = 2, 16
NW = NC * NS
CH = N // NW
NWIN = 4
WCH = CH // NWIN
WNV = WCH // L


def _sc_body(feat_hbm, batch_hbm, table_hbm, out_hbm,
             feat_v, batch_v, table_v, acc_v,
             tsem, fsems, bsems):
    wid = lax.axis_index("s") * NC + lax.axis_index("c")
    base = wid * CH

    ct = pltpu.async_copy(table_hbm, table_v, tsem)
    copies = []
    for w in range(NWIN):
        o = w * WCH
        cf = pltpu.async_copy(feat_hbm.at[pl.ds(base + o, WCH)],
                              feat_v.at[pl.ds(o, WCH)], fsems[w])
        cb = pltpu.async_copy(batch_hbm.at[pl.ds(base + o, WCH)],
                              batch_v.at[pl.ds(o, WCH)], bsems[w])
        copies.append((cf, cb))

    zero = jnp.zeros((L,), jnp.float32)

    @plsc.parallel_loop(0, B // L, unroll=8)
    def _zero(i):
        acc_v[pl.ds(i * L, L)] = zero

    ct.wait()

    lane = lax.iota(jnp.int32, L)
    is_last = lane == (L - 1)
    not_last = lane < (L - 1)

    for w in range(NWIN):
        copies[w][0].wait()
        copies[w][1].wait()

        @plsc.parallel_loop(w * WNV, (w + 1) * WNV, unroll=4)
        def _main(i):
            off = i * L
            f = feat_v[pl.ds(off, L)]
            s = batch_v[pl.ds(off, L)]
            sn = batch_v[pl.ds(off + 1, L)]
            vals = plsc.load_gather(table_v, [f])
            t = plsc.cumsum(vals)
            mb = s != sn
            m_plus = jnp.logical_or(mb, is_last)
            m_minus = jnp.logical_and(mb, not_last)
            plsc.addupdate_scatter(acc_v, [s], t, mask=m_plus)
            plsc.addupdate_scatter(acc_v, [sn], -t, mask=m_minus)

    pltpu.sync_copy(acc_v, out_hbm.at[wid])


def _tc_reduce(p_ref, o_ref):
    o_ref[...] = jnp.sum(p_ref[...], axis=0, keepdims=True)


def kernel(atom_features, batch_atom, property_per_element):
    feat = atom_features.reshape(N)

    mesh = plsc.VectorSubcoreMesh(core_axis_name="c", subcore_axis_name="s")
    partials = pl.kernel(
        _sc_body,
        out_type=jax.ShapeDtypeStruct((NW, B), jnp.float32),
        mesh=mesh,
        scratch_types=[
            pltpu.VMEM((CH,), jnp.int32),
            pltpu.VMEM((CH + L,), jnp.int32),
            pltpu.VMEM((NELEM,), jnp.float32),
            pltpu.VMEM((B,), jnp.float32),
            pltpu.SemaphoreType.DMA,
            [pltpu.SemaphoreType.DMA] * NWIN,
            [pltpu.SemaphoreType.DMA] * NWIN,
        ],
        compiler_params=pltpu.CompilerParams(
            needs_layout_passes=False,
            disable_bounds_checks=True,
            disable_semaphore_checks=True,
        ),
    )(feat, batch_atom, property_per_element)

    out = pl.pallas_call(
        _tc_reduce,
        out_shape=jax.ShapeDtypeStruct((1, B), jnp.float32),
    )(partials)
    return out.reshape(B, 1)

# --- scband reference (transcript-rebuilt; emitter-appended) ---
"""Pipeline reference for scband-atom-ref-49443663512040 (READ-ONLY COPY).

The authoritative reference and input builder live on the scoring server;
editing this copy changes nothing except your own understanding.
"""

import jax, jax.numpy as jnp
import numpy as np

N = 1048576
B = 32768
NELEM = 119


def setup_inputs(seed: int = 0) -> dict:
    key = jax.random.key(seed)
    k1, k2, k3 = jax.random.split(key, 3)
    atom_features = jax.random.randint(k1, (N, 1), 0, NELEM, dtype=jnp.int32)
    batch_atom = jnp.sort(jax.random.randint(k2, (N,), 0, B, dtype=jnp.int32))
    property_per_element = jax.random.normal(k3, (NELEM,), dtype=jnp.float32)
    return {
        "atom_features": atom_features,
        "batch_atom": batch_atom,
        "property_per_element": property_per_element,
    }


def reference(atom_features, batch_atom, property_per_element):
    # atom_indices = graph.atom_features.long().squeeze(-1)
    atom_indices = jnp.squeeze(atom_features, axis=-1)
    # atom_props = self.property_per_element[atom_indices]
    atom_props = jnp.take(property_per_element, atom_indices, axis=0)
    # batch_atom = repeat_interleave(arange(len(n_atoms)), n_atoms)
    # (precomputed as sorted segment ids, mathematically identical)
    # scatter(atom_props, batch_atom, dim=0, reduce='sum')
    out = jax.ops.segment_sum(atom_props, batch_atom, num_segments=B)
    return out.reshape(-1, 1)

if __name__ == "__main__":
    import jax
    _d = setup_inputs()
    print(jax.jit(kernel)(*tuple(_d.values())))

</pallas_src>

<mosaic_0001>
#map = affine_map<(d0, d1) -> (0)>
#map1 = affine_map<(d0, d1) -> (0, 0)>
module attributes {stable_mosaic.version = 14 : i64} {
  func.func @_sc_body(%arg0: i32, %arg1: i32, %arg2: memref<1048576xi32, #tpu.memory_space<hbm>>, %arg3: memref<1048576xi32, #tpu.memory_space<hbm>>, %arg4: memref<119xf32, #tpu.memory_space<hbm>>, %arg5: memref<32x32768xf32, #tpu.memory_space<hbm>>, %arg6: memref<32768xi32, #tpu.memory_space<vmem>>, %arg7: memref<32784xi32, #tpu.memory_space<vmem>>, %arg8: memref<119xf32, #tpu.memory_space<vmem>>, %arg9: memref<32768xf32, #tpu.memory_space<vmem>>, %arg10: memref<!tpu.dma_semaphore, #tpu.memory_space<semaphore_mem>>, %arg11: memref<!tpu.dma_semaphore, #tpu.memory_space<semaphore_mem>>, %arg12: memref<!tpu.dma_semaphore, #tpu.memory_space<semaphore_mem>>, %arg13: memref<!tpu.dma_semaphore, #tpu.memory_space<semaphore_mem>>, %arg14: memref<!tpu.dma_semaphore, #tpu.memory_space<semaphore_mem>>, %arg15: memref<!tpu.dma_semaphore, #tpu.memory_space<semaphore_mem>>, %arg16: memref<!tpu.dma_semaphore, #tpu.memory_space<semaphore_mem>>, %arg17: memref<!tpu.dma_semaphore, #tpu.memory_space<semaphore_mem>>, %arg18: memref<!tpu.dma_semaphore, #tpu.memory_space<semaphore_mem>>) attributes {dimension_semantics = [#tpu.dimension_semantics<core_parallel>, #tpu.dimension_semantics<subcore_parallel>], iteration_bounds = array<i64: 2, 16>, scalar_prefetch = 0 : i64, scratch_operands = 13 : i64, tpu.core_type = #tpu.core_type<sc_vector_subcore>, window_params = [{transform_indices = #map}, {transform_indices = #map}, {transform_indices = #map}, {transform_indices = #map1}]} {
    %mul3A = arith.constant 2 : i32
    %mul3A_0 = arith.muli %arg1, %mul3A : i32
    %add3A = arith.addi %mul3A_0, %arg0 : i32
    %mul3A_1 = arith.constant 32768 : i32
    %mul3A_2 = arith.muli %add3A, %mul3A_1 : i32
    tpu.enqueue_dma source(%arg4 : memref<119xf32, #tpu.memory_space<hbm>>) target(%arg8 : memref<119xf32, #tpu.memory_space<vmem>>) target_semaphore(%arg10 : memref<!tpu.dma_semaphore, #tpu.memory_space<semaphore_mem>>)
    %add3A_3 = arith.constant 0 : i32
    %add3A_4 = arith.addi %mul3A_2, %add3A_3 : i32
    %dma_start3A = arith.constant 0 : i32
    %dma_start3A_5 = tpu.memref_slice %arg6[%dma_start3A] : memref<32768xi32, #tpu.memory_space<vmem>> -> memref<8192xi32, #tpu.memory_space<vmem>>
    %dma_start3A_6 = tpu.memref_slice %arg2[%add3A_4] : memref<1048576xi32, #tpu.memory_space<hbm>> -> memref<8192xi32, #tpu.memory_space<hbm>>
    %dma_start3A_7 = arith.constant 0 : i32
    %dma_start3A_8 = tpu.memref_slice %arg6[%dma_start3A_7] : memref<32768xi32, #tpu.memory_space<vmem>> -> memref<8192xi32, #tpu.memory_space<vmem>>
    %dma_start3A_9 = tpu.memref_slice %arg2[%add3A_4] : memref<1048576xi32, #tpu.memory_space<hbm>> -> memref<8192xi32, #tpu.memory_space<hbm>>
    tpu.enqueue_dma source(%dma_start3A_9 : memref<8192xi32, #tpu.memory_space<hbm>>) target(%dma_start3A_8 : memref<8192xi32, #tpu.memory_space<vmem>>) target_semaphore(%arg11 : memref<!tpu.dma_semaphore, #tpu.memory_space<semaphore_mem>>)
    %add3A_10 = arith.constant 0 : i32
    %add3A_11 = arith.addi %mul3A_2, %add3A_10 : i32
    %dma_start3A_12 = arith.constant 0 : i32
    %dma_start3A_13 = tpu.memref_slice %arg7[%dma_start3A_12] : memref<32784xi32, #tpu.memory_space<vmem>> -> memref<8192xi32, #tpu.memory_space<vmem>>
    %dma_start3A_14 = tpu.memref_slice %arg3[%add3A_11] : memref<1048576xi32, #tpu.memory_space<hbm>> -> memref<8192xi32, #tpu.memory_space<hbm>>
    %dma_start3A_15 = arith.constant 0 : i32
    %dma_start3A_16 = tpu.memref_slice %arg7[%dma_start3A_15] : memref<32784xi32, #tpu.memory_space<vmem>> -> memref<8192xi32, #tpu.memory_space<vmem>>
    %dma_start3A_17 = tpu.memref_slice %arg3[%add3A_11] : memref<1048576xi32, #tpu.memory_space<hbm>> -> memref<8192xi32, #tpu.memory_space<hbm>>
    tpu.enqueue_dma source(%dma_start3A_17 : memref<8192xi32, #tpu.memory_space<hbm>>) target(%dma_start3A_16 : memref<8192xi32, #tpu.memory_space<vmem>>) target_semaphore(%arg15 : memref<!tpu.dma_semaphore, #tpu.memory_space<semaphore_mem>>)
    %add3A_18 = arith.constant 8192 : i32
    %add3A_19 = arith.addi %mul3A_2, %add3A_18 : i32
    %dma_start3A_20 = arith.constant 8192 : i32
    %dma_start3A_21 = tpu.memref_slice %arg6[%dma_start3A_20] : memref<32768xi32, #tpu.memory_space<vmem>> -> memref<8192xi32, #tpu.memory_space<vmem>>
    %dma_start3A_22 = tpu.memref_slice %arg2[%add3A_19] : memref<1048576xi32, #tpu.memory_space<hbm>> -> memref<8192xi32, #tpu.memory_space<hbm>>
    %dma_start3A_23 = arith.constant 8192 : i32
    %dma_start3A_24 = tpu.memref_slice %arg6[%dma_start3A_23] : memref<32768xi32, #tpu.memory_space<vmem>> -> memref<8192xi32, #tpu.memory_space<vmem>>
    %dma_start3A_25 = tpu.memref_slice %arg2[%add3A_19] : memref<1048576xi32, #tpu.memory_space<hbm>> -> memref<8192xi32, #tpu.memory_space<hbm>>
    tpu.enqueue_dma source(%dma_start3A_25 : memref<8192xi32, #tpu.memory_space<hbm>>) target(%dma_start3A_24 : memref<8192xi32, #tpu.memory_space<vmem>>) target_semaphore(%arg12 : memref<!tpu.dma_semaphore, #tpu.memory_space<semaphore_mem>>)
    %add3A_26 = arith.constant 8192 : i32
    %add3A_27 = arith.addi %mul3A_2, %add3A_26 : i32
    %dma_start3A_28 = arith.constant 8192 : i32
    %dma_start3A_29 = tpu.memref_slice %arg7[%dma_start3A_28] : memref<32784xi32, #tpu.memory_space<vmem>> -> memref<8192xi32, #tpu.memory_space<vmem>>
    %dma_start3A_30 = tpu.memref_slice %arg3[%add3A_27] : memref<1048576xi32, #tpu.memory_space<hbm>> -> memref<8192xi32, #tpu.memory_space<hbm>>
    %dma_start3A_31 = arith.constant 8192 : i32
    %dma_start3A_32 = tpu.memref_slice %arg7[%dma_start3A_31] : memref<32784xi32, #tpu.memory_space<vmem>> -> memref<8192xi32, #tpu.memory_space<vmem>>
    %dma_start3A_33 = tpu.memref_slice %arg3[%add3A_27] : memref<1048576xi32, #tpu.memory_space<hbm>> -> memref<8192xi32, #tpu.memory_space<hbm>>
    tpu.enqueue_dma source(%dma_start3A_33 : memref<8192xi32, #tpu.memory_space<hbm>>) target(%dma_start3A_32 : memref<8192xi32, #tpu.memory_space<vmem>>) target_semaphore(%arg16 : memref<!tpu.dma_semaphore, #tpu.memory_space<semaphore_mem>>)
    %add3A_34 = arith.constant 16384 : i32
    %add3A_35 = arith.addi %mul3A_2, %add3A_34 : i32
    %dma_start3A_36 = arith.constant 16384 : i32
    %dma_start3A_37 = tpu.memref_slice %arg6[%dma_start3A_36] : memref<32768xi32, #tpu.memory_space<vmem>> -> memref<8192xi32, #tpu.memory_space<vmem>>
    %dma_start3A_38 = tpu.memref_slice %arg2[%add3A_35] : memref<1048576xi32, #tpu.memory_space<hbm>> -> memref<8192xi32, #tpu.memory_space<hbm>>
    %dma_start3A_39 = arith.constant 16384 : i32
    %dma_start3A_40 = tpu.memref_slice %arg6[%dma_start3A_39] : memref<32768xi32, #tpu.memory_space<vmem>> -> memref<8192xi32, #tpu.memory_space<vmem>>
    %dma_start3A_41 = tpu.memref_slice %arg2[%add3A_35] : memref<1048576xi32, #tpu.memory_space<hbm>> -> memref<8192xi32, #tpu.memory_space<hbm>>
    tpu.enqueue_dma source(%dma_start3A_41 : memref<8192xi32, #tpu.memory_space<hbm>>) target(%dma_start3A_40 : memref<8192xi32, #tpu.memory_space<vmem>>) target_semaphore(%arg13 : memref<!tpu.dma_semaphore, #tpu.memory_space<semaphore_mem>>)
    %add3A_42 = arith.constant 16384 : i32
    %add3A_43 = arith.addi %mul3A_2, %add3A_42 : i32
    %dma_start3A_44 = arith.constant 16384 : i32
    %dma_start3A_45 = tpu.memref_slice %arg7[%dma_start3A_44] : memref<32784xi32, #tpu.memory_space<vmem>> -> memref<8192xi32, #tpu.memory_space<vmem>>
    %dma_start3A_46 = tpu.memref_slice %arg3[%add3A_43] : memref<1048576xi32, #tpu.memory_space<hbm>> -> memref<8192xi32, #tpu.memory_space<hbm>>
    %dma_start3A_47 = arith.constant 16384 : i32
    %dma_start3A_48 = tpu.memref_slice %arg7[%dma_start3A_47] : memref<32784xi32, #tpu.memory_space<vmem>> -> memref<8192xi32, #tpu.memory_space<vmem>>
    %dma_start3A_49 = tpu.memref_slice %arg3[%add3A_43] : memref<1048576xi32, #tpu.memory_space<hbm>> -> memref<8192xi32, #tpu.memory_space<hbm>>
    tpu.enqueue_dma source(%dma_start3A_49 : memref<8192xi32, #tpu.memory_space<hbm>>) target(%dma_start3A_48 : memref<8192xi32, #tpu.memory_space<vmem>>) target_semaphore(%arg17 : memref<!tpu.dma_semaphore, #tpu.memory_space<semaphore_mem>>)
    %add3A_50 = arith.constant 24576 : i32
    %add3A_51 = arith.addi %mul3A_2, %add3A_50 : i32
    %dma_start3A_52 = arith.constant 24576 : i32
    %dma_start3A_53 = tpu.memref_slice %arg6[%dma_start3A_52] : memref<32768xi32, #tpu.memory_space<vmem>> -> memref<8192xi32, #tpu.memory_space<vmem>>
    %dma_start3A_54 = tpu.memref_slice %arg2[%add3A_51] : memref<1048576xi32, #tpu.memory_space<hbm>> -> memref<8192xi32, #tpu.memory_space<hbm>>
    %dma_start3A_55 = arith.constant 24576 : i32
    %dma_start3A_56 = tpu.memref_slice %arg6[%dma_start3A_55] : memref<32768xi32, #tpu.memory_space<vmem>> -> memref<8192xi32, #tpu.memory_space<vmem>>
    %dma_start3A_57 = tpu.memref_slice %arg2[%add3A_51] : memref<1048576xi32, #tpu.memory_space<hbm>> -> memref<8192xi32, #tpu.memory_space<hbm>>
    tpu.enqueue_dma source(%dma_start3A_57 : memref<8192xi32, #tpu.memory_space<hbm>>) target(%dma_start3A_56 : memref<8192xi32, #tpu.memory_space<vmem>>) target_semaphore(%arg14 : memref<!tpu.dma_semaphore, #tpu.memory_space<semaphore_mem>>)
    %add3A_58 = arith.constant 24576 : i32
    %add3A_59 = arith.addi %mul3A_2, %add3A_58 : i32
    %dma_start3A_60 = arith.constant 24576 : i32
    %dma_start3A_61 = tpu.memref_slice %arg7[%dma_start3A_60] : memref<32784xi32, #tpu.memory_space<vmem>> -> memref<8192xi32, #tpu.memory_space<vmem>>
    %dma_start3A_62 = tpu.memref_slice %arg3[%add3A_59] : memref<1048576xi32, #tpu.memory_space<hbm>> -> memref<8192xi32, #tpu.memory_space<hbm>>
    %dma_start3A_63 = arith.constant 24576 : i32
    %dma_start3A_64 = tpu.memref_slice %arg7[%dma_start3A_63] : memref<32784xi32, #tpu.memory_space<vmem>> -> memref<8192xi32, #tpu.memory_space<vmem>>
    %dma_start3A_65 = tpu.memref_slice %arg3[%add3A_59] : memref<1048576xi32, #tpu.memory_space<hbm>> -> memref<8192xi32, #tpu.memory_space<hbm>>
    tpu.enqueue_dma source(%dma_start3A_65 : memref<8192xi32, #tpu.memory_space<hbm>>) target(%dma_start3A_64 : memref<8192xi32, #tpu.memory_space<vmem>>) target_semaphore(%arg18 : memref<!tpu.dma_semaphore, #tpu.memory_space<semaphore_mem>>)
    %broadcast_in_dim3A = arith.constant 0.000000e+00 : f32
    %broadcast_in_dim3A_66 = vector.broadcast %broadcast_in_dim3A : f32 to vector<16xf32>
    %parallel_loop3A = arith.constant 0 : i32
    %parallel_loop3A_67 = arith.constant 2048 : i32
    %parallel_loop3A_68 = arith.constant 1 : i32
    scf.for %parallel_loop3A_132 = %parallel_loop3A to %parallel_loop3A_67 step %parallel_loop3A_68  : i32 {
      %parallel_loop3A_133 = arith.constant 16 : i32
      %parallel_loop3A_134 = arith.muli %parallel_loop3A_132, %parallel_loop3A_133 : i32
      %parallel_loop3A_135 = arith.index_cast %parallel_loop3A_134 : i32 to index
      %parallel_loop3A_136 = tpu.vector_load %arg9[%parallel_loop3A_135] {strides = array<i32>} : memref<32768xf32, #tpu.memory_space<vmem>>, vector<16xf32>,
      tpu.vector_store %arg9[%parallel_loop3A_135], %broadcast_in_dim3A_66 {strides = array<i32>} : memref<32768xf32, #tpu.memory_space<vmem>>, vector<16xf32>,
    } {sc.loop_unroll_factor = 8 : i64, sc.parallel_access}
    tpu.wait_dma2 semaphore(%arg10 : memref<!tpu.dma_semaphore, #tpu.memory_space<semaphore_mem>>) src(%arg4 : memref<119xf32, #tpu.memory_space<hbm>>) dst(%arg8 : memref<119xf32, #tpu.memory_space<vmem>>)
    %iota3A = tpu.iota {dimensions = array<i32: 0>} : vector<16xi32>
    %eq3A = arith.constant 15 : i32
    %eq3A_69 = vector.broadcast %eq3A : i32 to vector<16xi32>
    %eq3A_70 = arith.cmpi eq, %iota3A, %eq3A_69 : vector<16xi32>
    %lt3A = arith.constant 15 : i32
    %lt3A_71 = vector.broadcast %lt3A : i32 to vector<16xi32>
    %lt3A_72 = arith.cmpi slt, %iota3A, %lt3A_71 : vector<16xi32>
    %dma_wait3A = arith.constant 0 : i32
    %dma_wait3A_73 = tpu.memref_slice %arg6[%dma_wait3A] : memref<32768xi32, #tpu.memory_space<vmem>> -> memref<8192xi32, #tpu.memory_space<vmem>>
    %dma_wait3A_74 = tpu.memref_slice %arg2[%add3A_4] : memref<1048576xi32, #tpu.memory_space<hbm>> -> memref<8192xi32, #tpu.memory_space<hbm>>
    %dma_wait3A_75 = arith.constant 0 : i32
    %dma_wait3A_76 = tpu.memref_slice %arg6[%dma_wait3A_75] : memref<32768xi32, #tpu.memory_space<vmem>> -> memref<8192xi32, #tpu.memory_space<vmem>>
    %dma_wait3A_77 = tpu.memref_slice %arg2[%add3A_4] : memref<1048576xi32, #tpu.memory_space<hbm>> -> memref<8192xi32, #tpu.memory_space<hbm>>
    tpu.wait_dma2 semaphore(%arg11 : memref<!tpu.dma_semaphore, #tpu.memory_space<semaphore_mem>>) src(%dma_wait3A_77 : memref<8192xi32, #tpu.memory_space<hbm>>) dst(%dma_wait3A_76 : memref<8192xi32, #tpu.memory_space<vmem>>)
    %dma_wait3A_78 = arith.constant 0 : i32
    %dma_wait3A_79 = tpu.memref_slice %arg7[%dma_wait3A_78] : memref<32784xi32, #tpu.memory_space<vmem>> -> memref<8192xi32, #tpu.memory_space<vmem>>
    %dma_wait3A_80 = tpu.memref_slice %arg3[%add3A_11] : memref<1048576xi32, #tpu.memory_space<hbm>> -> memref<8192xi32, #tpu.memory_space<hbm>>
    %dma_wait3A_81 = arith.constant 0 : i32
    %dma_wait3A_82 = tpu.memref_slice %arg7[%dma_wait3A_81] : memref<32784xi32, #tpu.memory_space<vmem>> -> memref<8192xi32, #tpu.memory_space<vmem>>
    %dma_wait3A_83 = tpu.memref_slice %arg3[%add3A_11] : memref<1048576xi32, #tpu.memory_space<hbm>> -> memref<8192xi32, #tpu.memory_space<hbm>>
    tpu.wait_dma2 semaphore(%arg15 : memref<!tpu.dma_semaphore, #tpu.memory_space<semaphore_mem>>) src(%dma_wait3A_83 : memref<8192xi32, #tpu.memory_space<hbm>>) dst(%dma_wait3A_82 : memref<8192xi32, #tpu.memory_space<vmem>>)
    %parallel_loop3A_84 = arith.constant 0 : i32
    %parallel_loop3A_85 = arith.constant 512 : i32
    %parallel_loop3A_86 = arith.constant 1 : i32
    scf.for %parallel_loop3A_132 = %parallel_loop3A_84 to %parallel_loop3A_85 step %parallel_loop3A_86  : i32 {
      %parallel_loop3A_133 = arith.constant 16 : i32
      %parallel_loop3A_134 = arith.muli %parallel_loop3A_132, %parallel_loop3A_133 : i32
      %parallel_loop3A_135 = arith.index_cast %parallel_loop3A_134 : i32 to index
      %parallel_loop3A_136 = tpu.vector_load %arg6[%parallel_loop3A_135] {strides = array<i32>} : memref<32768xi32, #tpu.memory_space<vmem>>, vector<16xi32>,
      %parallel_loop3A_137 = arith.index_cast %parallel_loop3A_134 : i32 to index
      %parallel_loop3A_138 = tpu.vector_load %arg7[%parallel_loop3A_137] {strides = array<i32>} : memref<32784xi32, #tpu.memory_space<vmem>>, vector<16xi32>,
      %parallel_loop3A_139 = arith.constant 1 : i32
      %parallel_loop3A_140 = arith.addi %parallel_loop3A_134, %parallel_loop3A_139 : i32
      %parallel_loop3A_141 = arith.index_cast %parallel_loop3A_140 : i32 to index
      %parallel_loop3A_142 = tpu.vector_load %arg7[%parallel_loop3A_141] {strides = array<i32>} : memref<32784xi32, #tpu.memory_space<vmem>>, vector<16xi32>,
      %parallel_loop3A_143 = tpu.vector_load_idx %arg8[%parallel_loop3A_136] : memref<119xf32, #tpu.memory_space<vmem>>[vector<16xi32>], vector<16xf32>,
      %parallel_loop3A_144 = arith.constant true
      %parallel_loop3A_145 = vector.broadcast %parallel_loop3A_144 : i1 to vector<16xi1>
      %parallel_loop3A_146 = tpu.scan <sum>, %parallel_loop3A_143 masked %parallel_loop3A_145 : vector<16xf32>, vector<16xi1> -> vector<16xf32>
      %parallel_loop3A_147 = arith.cmpi ne, %parallel_loop3A_138, %parallel_loop3A_142 : vector<16xi32>
      %parallel_loop3A_148 = arith.ori %parallel_loop3A_147, %eq3A_70 : vector<16xi1>
      %parallel_loop3A_149 = arith.andi %parallel_loop3A_147, %lt3A_72 : vector<16xi1>
      tpu.vector_store_idx %arg9[%parallel_loop3A_138], %parallel_loop3A_146 masked %parallel_loop3A_148 {add = true} : memref<32768xf32, #tpu.memory_space<vmem>>[vector<16xi32>], vector<16xf32>, vector<16xi1>
      %parallel_loop3A_150 = arith.constant 0.000000e+00 : f32
      %parallel_loop3A_151 = vector.broadcast %parallel_loop3A_150 : f32 to vector<16xf32>
      %parallel_loop3A_152 = arith.subf %parallel_loop3A_151, %parallel_loop3A_146 : vector<16xf32>
      tpu.vector_store_idx %arg9[%parallel_loop3A_142], %parallel_loop3A_152 masked %parallel_loop3A_149 {add = true} : memref<32768xf32, #tpu.memory_space<vmem>>[vector<16xi32>], vector<16xf32>, vector<16xi1>
    } {sc.loop_unroll_factor = 4 : i64, sc.parallel_access}
    %dma_wait3A_87 = arith.constant 8192 : i32
    %dma_wait3A_88 = tpu.memref_slice %arg6[%dma_wait3A_87] : memref<32768xi32, #tpu.memory_space<vmem>> -> memref<8192xi32, #tpu.memory_space<vmem>>
    %dma_wait3A_89 = tpu.memref_slice %arg2[%add3A_19] : memref<1048576xi32, #tpu.memory_space<hbm>> -> memref<8192xi32, #tpu.memory_space<hbm>>
    %dma_wait3A_90 = arith.constant 8192 : i32
    %dma_wait3A_91 = tpu.memref_slice %arg6[%dma_wait3A_90] : memref<32768xi32, #tpu.memory_space<vmem>> -> memref<8192xi32, #tpu.memory_space<vmem>>
    %dma_wait3A_92 = tpu.memref_slice %arg2[%add3A_19] : memref<1048576xi32, #tpu.memory_space<hbm>> -> memref<8192xi32, #tpu.memory_space<hbm>>
    tpu.wait_dma2 semaphore(%arg12 : memref<!tpu.dma_semaphore, #tpu.memory_space<semaphore_mem>>) src(%dma_wait3A_92 : memref<8192xi32, #tpu.memory_space<hbm>>) dst(%dma_wait3A_91 : memref<8192xi32, #tpu.memory_space<vmem>>)
    %dma_wait3A_93 = arith.constant 8192 : i32
    %dma_wait3A_94 = tpu.memref_slice %arg7[%dma_wait3A_93] : memref<32784xi32, #tpu.memory_space<vmem>> -> memref<8192xi32, #tpu.memory_space<vmem>>
    %dma_wait3A_95 = tpu.memref_slice %arg3[%add3A_27] : memref<1048576xi32, #tpu.memory_space<hbm>> -> memref<8192xi32, #tpu.memory_space<hbm>>
    %dma_wait3A_96 = arith.constant 8192 : i32
    %dma_wait3A_97 = tpu.memref_slice %arg7[%dma_wait3A_96] : memref<32784xi32, #tpu.memory_space<vmem>> -> memref<8192xi32, #tpu.memory_space<vmem>>
    %dma_wait3A_98 = tpu.memref_slice %arg3[%add3A_27] : memref<1048576xi32, #tpu.memory_space<hbm>> -> memref<8192xi32, #tpu.memory_space<hbm>>
    tpu.wait_dma2 semaphore(%arg16 : memref<!tpu.dma_semaphore, #tpu.memory_space<semaphore_mem>>) src(%dma_wait3A_98 : memref<8192xi32, #tpu.memory_space<hbm>>) dst(%dma_wait3A_97 : memref<8192xi32, #tpu.memory_space<vmem>>)
    %parallel_loop3A_99 = arith.constant 512 : i32
    %parallel_loop3A_100 = arith.constant 1024 : i32
    %parallel_loop3A_101 = arith.constant 1 : i32
    scf.for %parallel_loop3A_132 = %parallel_loop3A_99 to %parallel_loop3A_100 step %parallel_loop3A_101  : i32 {
      %parallel_loop3A_133 = arith.constant 16 : i32
      %parallel_loop3A_134 = arith.muli %parallel_loop3A_132, %parallel_loop3A_133 : i32
      %parallel_loop3A_135 = arith.index_cast %parallel_loop3A_134 : i32 to index
      %parallel_loop3A_136 = tpu.vector_load %arg6[%parallel_loop3A_135] {strides = array<i32>} : memref<32768xi32, #tpu.memory_space<vmem>>, vector<16xi32>,
      %parallel_loop3A_137 = arith.index_cast %parallel_loop3A_134 : i32 to index
      %parallel_loop3A_138 = tpu.vector_load %arg7[%parallel_loop3A_137] {strides = array<i32>} : memref<32784xi32, #tpu.memory_space<vmem>>, vector<16xi32>,
      %parallel_loop3A_139 = arith.constant 1 : i32
      %parallel_loop3A_140 = arith.addi %parallel_loop3A_134, %parallel_loop3A_139 : i32
      %parallel_loop3A_141 = arith.index_cast %parallel_loop3A_140 : i32 to index
      %parallel_loop3A_142 = tpu.vector_load %arg7[%parallel_loop3A_141] {strides = array<i32>} : memref<32784xi32, #tpu.memory_space<vmem>>, vector<16xi32>,
      %parallel_loop3A_143 = tpu.vector_load_idx %arg8[%parallel_loop3A_136] : memref<119xf32, #tpu.memory_space<vmem>>[vector<16xi32>], vector<16xf32>,
      %parallel_loop3A_144 = arith.constant true
      %parallel_loop3A_145 = vector.broadcast %parallel_loop3A_144 : i1 to vector<16xi1>
      %parallel_loop3A_146 = tpu.scan <sum>, %parallel_loop3A_143 masked %parallel_loop3A_145 : vector<16xf32>, vector<16xi1> -> vector<16xf32>
      %parallel_loop3A_147 = arith.cmpi ne, %parallel_loop3A_138, %parallel_loop3A_142 : vector<16xi32>
      %parallel_loop3A_148 = arith.ori %parallel_loop3A_147, %eq3A_70 : vector<16xi1>
      %parallel_loop3A_149 = arith.andi %parallel_loop3A_147, %lt3A_72 : vector<16xi1>
      tpu.vector_store_idx %arg9[%parallel_loop3A_138], %parallel_loop3A_146 masked %parallel_loop3A_148 {add = true} : memref<32768xf32, #tpu.memory_space<vmem>>[vector<16xi32>], vector<16xf32>, vector<16xi1>
      %parallel_loop3A_150 = arith.constant 0.000000e+00 : f32
      %parallel_loop3A_151 = vector.broadcast %parallel_loop3A_150 : f32 to vector<16xf32>
      %parallel_loop3A_152 = arith.subf %parallel_loop3A_151, %parallel_loop3A_146 : vector<16xf32>
      tpu.vector_store_idx %arg9[%parallel_loop3A_142], %parallel_loop3A_152 masked %parallel_loop3A_149 {add = true} : memref<32768xf32, #tpu.memory_space<vmem>>[vector<16xi32>], vector<16xf32>, vector<16xi1>
    } {sc.loop_unroll_factor = 4 : i64, sc.parallel_access}
    %dma_wait3A_102 = arith.constant 16384 : i32
    %dma_wait3A_103 = tpu.memref_slice %arg6[%dma_wait3A_102] : memref<32768xi32, #tpu.memory_space<vmem>> -> memref<8192xi32, #tpu.memory_space<vmem>>
    %dma_wait3A_104 = tpu.memref_slice %arg2[%add3A_35] : memref<1048576xi32, #tpu.memory_space<hbm>> -> memref<8192xi32, #tpu.memory_space<hbm>>
    %dma_wait3A_105 = arith.constant 16384 : i32
    %dma_wait3A_106 = tpu.memref_slice %arg6[%dma_wait3A_105] : memref<32768xi32, #tpu.memory_space<vmem>> -> memref<8192xi32, #tpu.memory_space<vmem>>
    %dma_wait3A_107 = tpu.memref_slice %arg2[%add3A_35] : memref<1048576xi32, #tpu.memory_space<hbm>> -> memref<8192xi32, #tpu.memory_space<hbm>>
    tpu.wait_dma2 semaphore(%arg13 : memref<!tpu.dma_semaphore, #tpu.memory_space<semaphore_mem>>) src(%dma_wait3A_107 : memref<8192xi32, #tpu.memory_space<hbm>>) dst(%dma_wait3A_106 : memref<8192xi32, #tpu.memory_space<vmem>>)
    %dma_wait3A_108 = arith.constant 16384 : i32
    %dma_wait3A_109 = tpu.memref_slice %arg7[%dma_wait3A_108] : memref<32784xi32, #tpu.memory_space<vmem>> -> memref<8192xi32, #tpu.memory_space<vmem>>
    %dma_wait3A_110 = tpu.memref_slice %arg3[%add3A_43] : memref<1048576xi32, #tpu.memory_space<hbm>> -> memref<8192xi32, #tpu.memory_space<hbm>>
    %dma_wait3A_111 = arith.constant 16384 : i32
    %dma_wait3A_112 = tpu.memref_slice %arg7[%dma_wait3A_111] : memref<32784xi32, #tpu.memory_space<vmem>> -> memref<8192xi32, #tpu.memory_space<vmem>>
    %dma_wait3A_113 = tpu.memref_slice %arg3[%add3A_43] : memref<1048576xi32, #tpu.memory_space<hbm>> -> memref<8192xi32, #tpu.memory_space<hbm>>
    tpu.wait_dma2 semaphore(%arg17 : memref<!tpu.dma_semaphore, #tpu.memory_space<semaphore_mem>>) src(%dma_wait3A_113 : memref<8192xi32, #tpu.memory_space<hbm>>) dst(%dma_wait3A_112 : memref<8192xi32, #tpu.memory_space<vmem>>)
    %parallel_loop3A_114 = arith.constant 1024 : i32
    %parallel_loop3A_115 = arith.constant 1536 : i32
    %parallel_loop3A_116 = arith.constant 1 : i32
    scf.for %parallel_loop3A_132 = %parallel_loop3A_114 to %parallel_loop3A_115 step %parallel_loop3A_116  : i32 {
      %parallel_loop3A_133 = arith.constant 16 : i32
      %parallel_loop3A_134 = arith.muli %parallel_loop3A_132, %parallel_loop3A_133 : i32
      %parallel_loop3A_135 = arith.index_cast %parallel_loop3A_134 : i32 to index
      %parallel_loop3A_136 = tpu.vector_load %arg6[%parallel_loop3A_135] {strides = array<i32>} : memref<32768xi32, #tpu.memory_space<vmem>>, vector<16xi32>,
      %parallel_loop3A_137 = arith.index_cast %parallel_loop3A_134 : i32 to index
      %parallel_loop3A_138 = tpu.vector_load %arg7[%parallel_loop3A_137] {strides = array<i32>} : memref<32784xi32, #tpu.memory_space<vmem>>, vector<16xi32>,
      %parallel_loop3A_139 = arith.constant 1 : i32
      %parallel_loop3A_140 = arith.addi %parallel_loop3A_134, %parallel_loop3A_139 : i32
      %parallel_loop3A_141 = arith.index_cast %parallel_loop3A_140 : i32 to index
      %parallel_loop3A_142 = tpu.vector_load %arg7[%parallel_loop3A_141] {strides = array<i32>} : memref<32784xi32, #tpu.memory_space<vmem>>, vector<16xi32>,
      %parallel_loop3A_143 = tpu.vector_load_idx %arg8[%parallel_loop3A_136] : memref<119xf32, #tpu.memory_space<vmem>>[vector<16xi32>], vector<16xf32>,
      %parallel_loop3A_144 = arith.constant true
      %parallel_loop3A_145 = vector.broadcast %parallel_loop3A_144 : i1 to vector<16xi1>
      %parallel_loop3A_146 = tpu.scan <sum>, %parallel_loop3A_143 masked %parallel_loop3A_145 : vector<16xf32>, vector<16xi1> -> vector<16xf32>
      %parallel_loop3A_147 = arith.cmpi ne, %parallel_loop3A_138, %parallel_loop3A_142 : vector<16xi32>
      %parallel_loop3A_148 = arith.ori %parallel_loop3A_147, %eq3A_70 : vector<16xi1>
      %parallel_loop3A_149 = arith.andi %parallel_loop3A_147, %lt3A_72 : vector<16xi1>
      tpu.vector_store_idx %arg9[%parallel_loop3A_138], %parallel_loop3A_146 masked %parallel_loop3A_148 {add = true} : memref<32768xf32, #tpu.memory_space<vmem>>[vector<16xi32>], vector<16xf32>, vector<16xi1>
      %parallel_loop3A_150 = arith.constant 0.000000e+00 : f32
      %parallel_loop3A_151 = vector.broadcast %parallel_loop3A_150 : f32 to vector<16xf32>
      %parallel_loop3A_152 = arith.subf %parallel_loop3A_151, %parallel_loop3A_146 : vector<16xf32>
      tpu.vector_store_idx %arg9[%parallel_loop3A_142], %parallel_loop3A_152 masked %parallel_loop3A_149 {add = true} : memref<32768xf32, #tpu.memory_space<vmem>>[vector<16xi32>], vector<16xf32>, vector<16xi1>
    } {sc.loop_unroll_factor = 4 : i64, sc.parallel_access}
    %dma_wait3A_117 = arith.constant 24576 : i32
    %dma_wait3A_118 = tpu.memref_slice %arg6[%dma_wait3A_117] : memref<32768xi32, #tpu.memory_space<vmem>> -> memref<8192xi32, #tpu.memory_space<vmem>>
    %dma_wait3A_119 = tpu.memref_slice %arg2[%add3A_51] : memref<1048576xi32, #tpu.memory_space<hbm>> -> memref<8192xi32, #tpu.memory_space<hbm>>
    %dma_wait3A_120 = arith.constant 24576 : i32
    %dma_wait3A_121 = tpu.memref_slice %arg6[%dma_wait3A_120] : memref<32768xi32, #tpu.memory_space<vmem>> -> memref<8192xi32, #tpu.memory_space<vmem>>
    %dma_wait3A_122 = tpu.memref_slice %arg2[%add3A_51] : memref<1048576xi32, #tpu.memory_space<hbm>> -> memref<8192xi32, #tpu.memory_space<hbm>>
    tpu.wait_dma2 semaphore(%arg14 : memref<!tpu.dma_semaphore, #tpu.memory_space<semaphore_mem>>) src(%dma_wait3A_122 : memref<8192xi32, #tpu.memory_space<hbm>>) dst(%dma_wait3A_121 : memref<8192xi32, #tpu.memory_space<vmem>>)
    %dma_wait3A_123 = arith.constant 24576 : i32
    %dma_wait3A_124 = tpu.memref_slice %arg7[%dma_wait3A_123] : memref<32784xi32, #tpu.memory_space<vmem>> -> memref<8192xi32, #tpu.memory_space<vmem>>
    %dma_wait3A_125 = tpu.memref_slice %arg3[%add3A_59] : memref<1048576xi32, #tpu.memory_space<hbm>> -> memref<8192xi32, #tpu.memory_space<hbm>>
    %dma_wait3A_126 = arith.constant 24576 : i32
    %dma_wait3A_127 = tpu.memref_slice %arg7[%dma_wait3A_126] : memref<32784xi32, #tpu.memory_space<vmem>> -> memref<8192xi32, #tpu.memory_space<vmem>>
    %dma_wait3A_128 = tpu.memref_slice %arg3[%add3A_59] : memref<1048576xi32, #tpu.memory_space<hbm>> -> memref<8192xi32, #tpu.memory_space<hbm>>
    tpu.wait_dma2 semaphore(%arg18 : memref<!tpu.dma_semaphore, #tpu.memory_space<semaphore_mem>>) src(%dma_wait3A_128 : memref<8192xi32, #tpu.memory_space<hbm>>) dst(%dma_wait3A_127 : memref<8192xi32, #tpu.memory_space<vmem>>)
    %parallel_loop3A_129 = arith.constant 1536 : i32
    %parallel_loop3A_130 = arith.constant 2048 : i32
    %parallel_loop3A_131 = arith.constant 1 : i32
    scf.for %parallel_loop3A_132 = %parallel_loop3A_129 to %parallel_loop3A_130 step %parallel_loop3A_131  : i32 {
      %parallel_loop3A_133 = arith.constant 16 : i32
      %parallel_loop3A_134 = arith.muli %parallel_loop3A_132, %parallel_loop3A_133 : i32
      %parallel_loop3A_135 = arith.index_cast %parallel_loop3A_134 : i32 to index
      %parallel_loop3A_136 = tpu.vector_load %arg6[%parallel_loop3A_135] {strides = array<i32>} : memref<32768xi32, #tpu.memory_space<vmem>>, vector<16xi32>,
      %parallel_loop3A_137 = arith.index_cast %parallel_loop3A_134 : i32 to index
      %parallel_loop3A_138 = tpu.vector_load %arg7[%parallel_loop3A_137] {strides = array<i32>} : memref<32784xi32, #tpu.memory_space<vmem>>, vector<16xi32>,
      %parallel_loop3A_139 = arith.constant 1 : i32
      %parallel_loop3A_140 = arith.addi %parallel_loop3A_134, %parallel_loop3A_139 : i32
      %parallel_loop3A_141 = arith.index_cast %parallel_loop3A_140 : i32 to index
      %parallel_loop3A_142 = tpu.vector_load %arg7[%parallel_loop3A_141] {strides = array<i32>} : memref<32784xi32, #tpu.memory_space<vmem>>, vector<16xi32>,
      %parallel_loop3A_143 = tpu.vector_load_idx %arg8[%parallel_loop3A_136] : memref<119xf32, #tpu.memory_space<vmem>>[vector<16xi32>], vector<16xf32>,
      %parallel_loop3A_144 = arith.constant true
      %parallel_loop3A_145 = vector.broadcast %parallel_loop3A_144 : i1 to vector<16xi1>
      %parallel_loop3A_146 = tpu.scan <sum>, %parallel_loop3A_143 masked %parallel_loop3A_145 : vector<16xf32>, vector<16xi1> -> vector<16xf32>
      %parallel_loop3A_147 = arith.cmpi ne, %parallel_loop3A_138, %parallel_loop3A_142 : vector<16xi32>
      %parallel_loop3A_148 = arith.ori %parallel_loop3A_147, %eq3A_70 : vector<16xi1>
      %parallel_loop3A_149 = arith.andi %parallel_loop3A_147, %lt3A_72 : vector<16xi1>
      tpu.vector_store_idx %arg9[%parallel_loop3A_138], %parallel_loop3A_146 masked %parallel_loop3A_148 {add = true} : memref<32768xf32, #tpu.memory_space<vmem>>[vector<16xi32>], vector<16xf32>, vector<16xi1>
      %parallel_loop3A_150 = arith.constant 0.000000e+00 : f32
      %parallel_loop3A_151 = vector.broadcast %parallel_loop3A_150 : f32 to vector<16xf32>
      %parallel_loop3A_152 = arith.subf %parallel_loop3A_151, %parallel_loop3A_146 : vector<16xf32>
      tpu.vector_store_idx %arg9[%parallel_loop3A_142], %parallel_loop3A_152 masked %parallel_loop3A_149 {add = true} : memref<32768xf32, #tpu.memory_space<vmem>>[vector<16xi32>], vector<16xf32>, vector<16xi1>
    } {sc.loop_unroll_factor = 4 : i64, sc.parallel_access}
    "tpu.region"() ({
      %run_scoped3A = tpu.sem_alloc : memref<!tpu.dma_semaphore, #tpu.memory_space<semaphore_mem>>
      %dma_start3A_132 = arith.constant 0 : i32
      %dma_start3A_133 = tpu.memref_slice %arg5[%add3A, %dma_start3A_132] : memref<32x32768xf32, #tpu.memory_space<hbm>> -> memref<1x32768xf32, #tpu.memory_space<hbm>>
      %dma_start3A_134 = tpu.memref_squeeze %dma_start3A_133 : memref<1x32768xf32, #tpu.memory_space<hbm>> -> memref<32768xf32, #tpu.memory_space<hbm>>
      %dma_start3A_135 = arith.constant 0 : i32
      %dma_start3A_136 = tpu.memref_slice %arg5[%add3A, %dma_start3A_135] : memref<32x32768xf32, #tpu.memory_space<hbm>> -> memref<1x32768xf32, #tpu.memory_space<hbm>>
      %dma_start3A_137 = tpu.memref_squeeze %dma_start3A_136 : memref<1x32768xf32, #tpu.memory_space<hbm>> -> memref<32768xf32, #tpu.memory_space<hbm>>
      tpu.enqueue_dma source(%arg9 : memref<32768xf32, #tpu.memory_space<vmem>>) target(%dma_start3A_137 : memref<32768xf32, #tpu.memory_space<hbm>>) target_semaphore(%run_scoped3A : memref<!tpu.dma_semaphore, #tpu.memory_space<semaphore_mem>>)
      %dma_wait3A_138 = arith.constant 0 : i32
      %dma_wait3A_139 = tpu.memref_slice %arg5[%add3A, %dma_wait3A_138] : memref<32x32768xf32, #tpu.memory_space<hbm>> -> memref<1x32768xf32, #tpu.memory_space<hbm>>
      %dma_wait3A_140 = tpu.memref_squeeze %dma_wait3A_139 : memref<1x32768xf32, #tpu.memory_space<hbm>> -> memref<32768xf32, #tpu.memory_space<hbm>>
      %dma_wait3A_141 = arith.constant 0 : i32
      %dma_wait3A_142 = tpu.memref_slice %arg5[%add3A, %dma_wait3A_141] : memref<32x32768xf32, #tpu.memory_space<hbm>> -> memref<1x32768xf32, #tpu.memory_space<hbm>>
      %dma_wait3A_143 = tpu.memref_squeeze %dma_wait3A_142 : memref<1x32768xf32, #tpu.memory_space<hbm>> -> memref<32768xf32, #tpu.memory_space<hbm>>
      tpu.wait_dma2 semaphore(%run_scoped3A : memref<!tpu.dma_semaphore, #tpu.memory_space<semaphore_mem>>) src(%arg9 : memref<32768xf32, #tpu.memory_space<vmem>>) dst(%dma_wait3A_143 : memref<32768xf32, #tpu.memory_space<hbm>>)
      tpu.yield
    }) : () -> ()
    return
  }
}

module attributes {stable_mosaic.version = 14 : i64} {
  func.func @_tc_reduce(%arg0: memref<32x32768xf32, #tpu.memory_space<vmem>>, %arg1: memref<1x32768xf32, #tpu.memory_space<vmem>>) attributes {dimension_semantics = [], scalar_prefetch = 0 : i64, scratch_operands = 0 : i64, tpu.core_type = #tpu.core_type<tc>} {
    %get3A = arith.constant 0 : index
    %get3A_0 = arith.constant 0 : index
    %get3A_1 = vector.load %arg0[%get3A, %get3A_0] : memref<32x32768xf32, #tpu.memory_space<vmem>>, vector<32x32768xf32>
    %reduce_sum3A = arith.constant dense<0.000000e+00> : vector<32768xf32>
    %reduce_sum3A_2 = vector.multi_reduction <add>, %get3A_1, %reduce_sum3A [0] : vector<32x32768xf32> to vector<32768xf32>
    %broadcast_in_dim3A = vector.shape_cast %reduce_sum3A_2 : vector<32768xf32> to vector<1x32768xf32>
    %swap3A = arith.constant 0 : index
    %swap3A_3 = arith.constant 0 : index
    %swap3A_4 = vector.load %arg1[%swap3A, %swap3A_3] : memref<1x32768xf32, #tpu.memory_space<vmem>>, vector<1x32768xf32>
    tpu.vector_store %arg1[%swap3A, %swap3A_3], %broadcast_in_dim3A {strides = array<i32>} : memref<1x32768xf32, #tpu.memory_space<vmem>>, vector<1x32768xf32>,
    return
  }
}

</mosaic_0001>

<sc_bundles>
// kernel: kernel.4.cloned.1.call-start
scs
__scs_entry_jumppad:
0x0: {  	(pc) =	sbr.rel $0x88, $3  }
0x1: {  	(tag) =	ssettag $0x0;
	lr =	simm.s32 $0x1  }
0x2: {  	[smem:$0x3F9E] =	sst lr;
	_ =	strace $0xD0000000  }
0x3: {  	_ = 	snop  }
0x4: {  	_ = 	snop  }
0x5: {  	_ = 	snop  }
0x6: {  	_ = 	snop  }
0x7: {  	_ = 	snop  }
__scs_overlays_trampoline_lowered:
0x8: {  	[smem:$0x3FAD] =	sst s0  }
0x9: {  	[smem:$0x3FAE] =	sst s1  }
0xa: {  	[smem:$0x3FAF] =	sst s2  }
0xb: {  	[smem:$0x3FB0] =	sst s3  }
0xc: {  	[smem:$0x3FB1] =	sst s4  }
0xd: {  	[smem:$0x3FB2] =	sst s5  }
0xe: {  	[smem:$0x3FB3] =	sst s6  }
0xf: {  	[smem:$0x3FB4] =	sst s7  }
0x10: {  	[smem:$0x3FB5] =	sst s8  }
0x11: {  	[smem:$0x3FB6] =	sst s9;
	s0 =	simm.s32 @!p0 $0x0  }
0x12: {  	s1 =	sld [smem:$0x3F9C];
	s0 =	simm.s32 @p0 $0x1  }
0x13: {  	[smem:$0x3FB7] =	sst s0;
	s0 =	simm.s32 @!p1 $0x0  }
0x14: {  	s2 =	sld [smem:$0x3F9B];
	s0 =	simm.s32 @p1 $0x1  }
0x15: {  	[smem:$0x3FB8] =	sst s0;
	s0 =	simm.s32 @!p2 $0x0  }
0x16: {  	s3 =	sld [smem:$0x3FDB];
	s0 =	simm.s32 @p2 $0x1  }
0x17: {  	s4 =	simm.s32 $0x1BF5;
	[smem:$0x3FBA] =	sst s0  }
0x18: {  	s0 =	sld [smem:$0x3F9D];
	_ =	swait.ge [sflag:s4], $0x0  }
0x19: {  	s7 =	sld [smem:$0x3F9E]  }
0x1a: {  	s8 =	sadd.s32 $0xFFFFE003, lr  }
0x1b: {  	s9 =	sadd.s32 $0xFFFFFEF7, lr;
	s5 =	simm.s32 $0xFFFFFFFF;
	p2 =	slt.u32 s8, $0xFFFFF086  }
0x1c: {  	p1 =	slt.u32 s9, $0xF7A;
	s5 =	simm.s32 @!p2 $0x0  }
0x1d: {  	s5 =	simm.s32 @p1 $0x1;
	p0 =	seq.s32 s7, s2  }
0x1e: {  	s7 =	smul.u32 @!p0 $0xF7A, s2;
	p2 =	seq.s32 @!p0 s5, $0x0  }
0x1f: {  	s9 =	smul.u32 $0xF7A, s1;
	s8 =	simm.s32 @!p0 $0x1BF5;
	p2 =	por !p2, p0  }
0x20: {  	[sflag:s8] =	ssyncset.s32 @!p0 $0xFFFFF086;
	s6 =	sadd.s32 @!p0 s3, s7;
	s7 =	simm.s32 @!p0 $0x108  }
0x21: {  	s3 =	sadd.s32 s3, s9;
	s6 =	sadd.s32 @!p0 $0x88, s6;
	s7 =	simm.s32 @p2 $0x1082  }
0x22: {  	[simem:s7], [sflag:s8] =	dma.local @!p0 [hbm:s6], $0xF7A  }
0x23: {  	s9 =	sor.u32 $0xD0000000, s2;
	s6 =	simm.s32 $0x108;
	_ =	swait.ge @!p0 [sflag:s8], $0x0  }
0x24: {  	s3 =	sadd.s32 $0x88, s3;
	s6 =	simm.s32 @!p1 $0x1082;
	[sflag:s4] =	ssyncset.s32 $0xFFFFF086  }
0x25: {  	[simem:s6], [sflag:s4] =	dma.local [hbm:s3], $0xF7A  }
0x26: {  	[smem:$0x3F9E] =	sst s1;
	(tag) =	ssettag s2;
	_ =	strace s9  }
0x27: {  	s1 =	sld [smem:$0x3FAE]  }
0x28: {  	s2 =	sld [smem:$0x3FAF]  }
0x29: {  	s4 =	sld [smem:$0x3FB1]  }
0x2a: {  	p0 =	seq.s32 s5, $0x0;
	s5 =	sld [smem:$0x3FB2]  }
0x2b: {  	s6 =	sld [smem:$0x3FB3]  }
0x2c: {  	s7 =	sld [smem:$0x3FB4]  }
0x2d: {  	s3 =	simm.s32 $0x108;
	s8 =	sld [smem:$0x3FB5]  }
0x2e: {  	s3 =	simm.s32 @!p0 $0x1082;
	s9 =	sld [smem:$0x3FB6]  }
0x2f: {  	lr =	sadd.s32 s0, s3;
	s0 =	sld [smem:$0x3FAD]  }
0x30: {  	s3 =	sld [smem:$0x3FB0]  }
0x31: {  	[smem:$0x3FB9] =	sst s10  }
0x32: {  	s10 =	sld [smem:$0x3FB7];
	_ =	sdelay $0x3  }
0x33: {  	p0 =	seq.s32 s10, $0x1;
	s10 =	sld [smem:$0x3FB9];
	_ =	sdelay $0x3  }
0x34: {  	[smem:$0x3FB9] =	sst s10  }
0x35: {  	s10 =	sld [smem:$0x3FB8];
	_ =	sdelay $0x3  }
0x36: {  	p1 =	seq.s32 s10, $0x1;
	s10 =	sld [smem:$0x3FB9];
	_ =	sdelay $0x3  }
0x37: {  	[smem:$0x3FB9] =	sst s10  }
0x38: {  	s10 =	sld [smem:$0x3FBA]  }
0x39: {  	_ = 	snop;
	(pc) =	sbr.ind lr, $3  }
0x3a: {  	_ = 	snop  }
0x3b: {  	_ = 	snop  }
0x3c: {  	p2 =	seq.s32 s10, $0x1;
	s10 =	sld [smem:$0x3FB9]  }
0x3d: {  	_ =	shalt  }
0x3e: {  	_ =	shalt  }
0x3f: {  	_ =	shalt  }
0x40: {  	_ =	shalt  }
0x41: {  	_ =	shalt  }
0x42: {  	_ =	shalt  }
0x43: {  	_ =	shalt  }
0x44: {  	_ =	shalt  }
0x45: {  	_ =	shalt  }
0x46: {  	_ =	shalt  }
0x47: {  	_ =	shalt  }
0x48: {  	_ =	shalt  }
0x49: {  	_ =	shalt  }
0x4a: {  	_ =	shalt  }
0x4b: {  	_ =	shalt  }
0x4c: {  	_ =	shalt  }
0x4d: {  	_ =	shalt  }
0x4e: {  	_ =	shalt  }
0x4f: {  	_ =	shalt  }
0x50: {  	_ =	shalt  }
0x51: {  	_ =	shalt  }
0x52: {  	_ =	shalt  }
0x53: {  	_ =	shalt  }
0x54: {  	_ =	shalt  }
0x55: {  	_ =	shalt  }
0x56: {  	_ =	shalt  }
0x57: {  	_ =	shalt  }
0x58: {  	_ =	shalt  }
0x59: {  	_ =	shalt  }
0x5a: {  	_ =	shalt  }
0x5b: {  	_ =	shalt  }
0x5c: {  	_ =	shalt  }
0x5d: {  	_ =	shalt  }
0x5e: {  	_ =	shalt  }
0x5f: {  	_ =	shalt  }
0x60: {  	_ =	shalt  }
0x61: {  	_ =	shalt  }
0x62: {  	_ =	shalt  }
0x63: {  	_ =	shalt  }
0x64: {  	_ =	shalt  }
0x65: {  	_ =	shalt  }
0x66: {  	_ =	shalt  }
0x67: {  	_ =	shalt  }
0x68: {  	_ =	shalt  }
0x69: {  	_ =	shalt  }
0x6a: {  	_ =	shalt  }
0x6b: {  	_ =	shalt  }
0x6c: {  	_ =	shalt  }
0x6d: {  	_ =	shalt  }
0x6e: {  	_ =	shalt  }
0x6f: {  	_ =	shalt  }
0x70: {  	_ =	shalt  }
0x71: {  	_ =	shalt  }
0x72: {  	_ =	shalt  }
0x73: {  	_ =	shalt  }
0x74: {  	_ =	shalt  }
0x75: {  	_ =	shalt  }
0x76: {  	_ =	shalt  }
0x77: {  	_ =	shalt  }
0x78: {  	_ =	shalt  }
0x79: {  	_ =	shalt  }
0x7a: {  	_ =	shalt  }
0x7b: {  	_ =	shalt  }
0x7c: {  	_ =	shalt  }
0x7d: {  	_ =	shalt  }
0x7e: {  	_ =	shalt  }
0x7f: {  	_ =	shalt  }
0x80: {  	_ =	shalt  }
0x81: {  	_ =	shalt  }
0x82: {  	_ =	shalt  }
0x83: {  	_ =	shalt  }
0x84: {  	_ =	shalt  }
0x85: {  	_ =	shalt  }
0x86: {  	_ =	shalt  }
0x87: {  	_ =	shalt  }
.Lfunc_end0:
.L_simem_size_0:
called_computation_lowered:
.L_overlay_start_0:
0x88: {  	s2 =	sld [smem:$0x3FD9]  }
0x89: {  	s3 =	sld [smem:$0x3FFE];
	_ =	sdelay $0x1  }
0x8a: {  	s1 =	srdreg.scid  }
0x8b: {  	s0 =	sand.u32 $0x1, s1  }
0x8c: {  	s17 =	sshll.u32 s0, $0xA;
	s2 =	sadd.s32 s3, s2  }
0x8d: {  	s2 =	sadd.s32 s2, s17  }
0x8e: {  	[smem:$0x3FC5] =	sst s2  }
0x8f: {  	_ = 	snop  }
0x90: {  	s2 =	sld [smem:$0x3FC9]  }
0x91: {  	s18 =	sld [smem:$0x3FC8]  }
0x92: {  	s4 =	sld [smem:$0x3FC7];
	(tm) =	ssettm $0x1  }
0x93: {  	s5 =	sld [smem:$0x3FFB];
	_ =	sdelay $0x3  }
0x94: {  	_ =	strace s5  }
0x95: {  	s5 =	sld [smem:$0x3FFC];
	_ =	sdelay $0x3  }
0x96: {  	_ =	strace s5  }
0x97: {  	s5 =	sld [smem:$0x3FFD];
	_ =	sdelay $0x3  }
0x98: {  	_ =	strace s5  }
0x99: {  	_ =	strace $0x8FFFFFFF  }
0x9a: {  	s19 =	sld [smem:$0x3FDB];
	_ =	sdelay $0x1  }
0x9b: {  	s6 =	simm.s32 $_scs_section_size  }
0x9c: {  	s7 =	simm.s32 $_size__tile_overlayer_lowered;
	s8 =	simm.s32 $_tile_overlayer_lowered  }
0x9d: {  	s22 =	simm.s32 $0x1BFF;
	s21 =	sshll.u32 s8, $0x1;
	s5 =	sadd.s32 s6, s19  }
0x9e: {  	s9 =	simm.s32 $0x0;
	s20 =	sshll.u32 s7, $0x1;
	s7 =	sadd.s32 s21, s5  }
0x9f: {  	[timem:s9], [sflag:s22] =	dma.local [hbm:s7], s20  }
0xa0: {  	_ =	swait.ge [sflag:s22], s20  }
0xa1: {  	s6 =	ssub.s32 $0x0, s20;
	[sflag:s22] =	ssyncset.done $0x0  }
0xa2: {  	[sflag:s22] =	ssyncadd.s32 s6;
	_ =	sdelay $0x1  }
0xa3: {  	s23 =	simm.s32 $0x1B8B  }
0xa4: {  	_ =	swait.ge [sflag:s23], $0x1  }
0xa5: {  	[sflag:s23] =	ssyncset.done $0x0  }
0xa6: {  	s25 =	simm.s32 $0x1B8E;
	s24 =	sld [smem:$0x3FFE];
	[sflag:s23] =	ssyncadd.s32 $0xFFFFFFFF  }
0xa7: {  	s26 =	simm.s32 $execute0_lowered;
	[smem:$0x3FD2] =	sst s25  }
0xa8: {  	s7 =	sshll.u32 s26, $0x1;
	_ =	strace $0x80000046;
	[dreg:$0x1] =	wrdreg $0xFFFFFFFF  }
0xa9: {  	s28 =	simm.s32 $_size_execute0_lowered;
	s5 =	sadd.s32 s5, s7;
	[dreg:$0x0] =	wrdreg $0x0  }
0xaa: {  	s7 =	sshll.u32 s28, $0x1;
	[dreg:$0x2] =	wrdreg s5  }
0xab: {  	[dreg:$0x3] =	wrdreg s7  }
0xac: {  	[dreg:$0x4] =	wrdreg $0xC0  }
0xad: {  	_ =	task [dreg:s9], $0x5FFFF  }
0xae: {  	[dreg:$0x1] =	wrdreg $0xFFFFFFFF  }
0xaf: {  	[dreg:$0x0] =	wrdreg $0x60  }
0xb0: {  	[dreg:$0x2] =	wrdreg s2  }
0xb1: {  	[dreg:$0x3] =	wrdreg s18  }
0xb2: {  	[dreg:$0x4] =	wrdreg s4  }
0xb3: {  	[dreg:$0x5] =	wrdreg s24  }
0xb4: {  	[dreg:$0x6] =	wrdreg $0x9  }
0xb5: {  	_ =	task.clear_ibuf [dreg:s9], $0x7FFFF;
	_ =	strace $0x90000046  }
0xb6: {  	s29 =	simm.s32 $0x9;
	_ =	strace $0x80000048  }
0xb7: {  	_ =	swait.ge [sflag:s29], $0x1  }
0xb8: {  	[sflag:s29] =	ssyncadd.s32 $0xFFFFFFFF  }
0xb9: {  	_ =	strace $0x90000048  }
0xba: {  	_ =	sfence  }
0xbb: {  	s30 =	sld [smem:$0x0];
	_ =	sdelay $0x2  }
0xbc: {  	s31 =	sshll.u32 s1, $0xD;
	s1 =	sshrl.u32 s1, $0x2  }
0xbd: {  	s3 =	sand.u32 $0x4000, s31;
	s1 =	sadd.s32 s1, s30  }
0xbe: {  	s0 =	sor.u32 s3, s0;
	s1 =	sshll.u32 s1, $0x11  }
0xbf: {  	s0 =	sor.u32 s1, s0  }
0xc0: {  	s0 =	sadd.s32 $0x8F2B, s0  }
0xc1: {  	[sflag:s0] =	ssyncadd.remote.s32 $0x1  }
0xc2: {  	_ =	sfence.sel $0xFFFF  }
0xc3: {  	[dreg:$0x0] =	wrdreg $0xFFFFFFFF;
	(pc) =	sbr.abs _section_cstart, $3  }
0xc4: {  	[dreg:$0x1] =	wrdreg $0xFFFFFFFF  }
0xc5: {  	_ =	task.clear_ibuf [dreg:s9], $0x2FFFF;
	_ =	strace $0x9FFFFFFF  }
0xc6: {  	(tm) =	ssettm $0x7FFFFFFF  }
0xc7: {  	_ =	shalt  }
tec
execute0_lowered:
.L_overlay_start_1:
0x0: {  	(tag) =	ssettag $0x1  }
0x1: {  	s0 =	rddreg [dreg:$0x0]  }
0x2: {  	s1 =	rddreg [dreg:$0x1]  }
0x3: {  	s2 =	rddreg [dreg:$0x3]  }
0x4: {  	s3 =	simm.s32 $0x0;
	s6 =	stileid.u32;
	s4 =	srdreg.scid  }
0x5: {  	s14 =	simm.s32 $0x10080;
	s20 =	simm.s32 $0x6000;
	s21 =	simm.s32 $0xE000  }
0x6: {  	s22 =	simm.s32 $0x1;
	s28 =	simm.s32 $0x7;
	s29 =	simm.s32 $0x4  }
0x7: {  	s30 =	simm.s32 $0x8;
	s31 =	simm.s32 $0x5;
	s15 =	simm.s32 $0xA  }
0x8: {  	s16 =	simm.s32 $0x0;
	[smem:$0x7FF] =	sst s3;
	s5 =	sshll.u32 s6, $0xD  }
0x9: {  	s4 =	sand.u32 $0x1, s4;
	s6 =	sshll.u32 s6, $0x1;
	_ =	strace $0x80000047  }
0xa: {  	s5 =	sand.u32 $0x18000, s5;
	s7 =	ssub.s32 $0x2, s4;
	s9 =	sor.u32 s4, s6  }
0xb: {  	s2 =	sadd.s32 s5, s2;
	s23 =	sshrl.u32 s7, $0x1;
	s10 =	sshll.u32 s9, $0xC  }
0xc: {  	s12 =	sshll.u32 s9, $0x4;
	s13 =	ssub.s32 s7, s23;
	s4 =	sadd.s32 s0, s10  }
0xd: {  	s24 =	sor.u32 $0x400, s10;
	s5 =	sadd.s32 s1, s10;
	s11 =	sor.u32 $0x800, s10  }
0xe: {  	s25 =	sor.u32 $0xC00, s10;
	s12 =	sand.u32 $0x70, s12;
	s23 =	simm.s32 $0x2  }
0xf: {  	s6 =	sadd.s32 s0, s24;
	s7 =	sadd.s32 s1, s24;
	s8 =	sadd.s32 s0, s11  }
0x10: {  	s9 =	sadd.s32 s1, s11;
	s10 =	sadd.s32 s0, s25;
	s11 =	sadd.s32 s1, s25  }
0x11: {  	s26 =	sadd.s32 s12, s2;
	s13 =	smax.u32 s13, $0x1;
	s24 =	simm.s32 $0x6  }
0x12: {  	s25 =	simm.s32 $0x10100;
	s0 =	simm.s32 $0x9;
	s2 =	simm.s32 $0x80  }
0x13: {  	v0 =	vimm.f32 $0.0e+00;
	vm0 =	vcmask $0x3F3C;
	vm1 =	vmmov $0x7fff;
	s1 =	simm.s32 $0x400;
	s12 =	sadd.s32 $0x600, s26;
	s26 =	simm.s32 $0x3  }
.LBB2_1:
0x14: {  	s17 =	rddreg [dreg:$0x2]  }
0x15: {  	[tilespmem:s14], [sflag:$0x1] =	stream.linear.gather [hbm4b:s17+s3], $0x80, $0x38;
	[tilespmem:$0x18100] =	vst v63  }
0x16: {  	_ = 	snop  }
0x17: {  	[tilespmem:s3], [sflag:$0x2] =	stream.linear.gather [hbm4b:s4+s3], $0x2000, $0x38;
	[tilespmem:$0x18100] =	vst v63  }
0x18: {  	s19 =	simm.s32 $0x8000  }
0x19: {  	[tilespmem:s19], [sflag:$0x6] =	stream.linear.gather [hbm4b:s5+s3], $0x2000, $0x38;
	[tilespmem:$0x18100] =	vst v63  }
0x1a: {  	s18 =	simm.s32 $0x2000  }
0x1b: {  	[tilespmem:s18], [sflag:$0x3] =	stream.linear.gather [hbm4b:s6+s3], $0x2000, $0x38;
	[tilespmem:$0x18100] =	vst v63  }
0x1c: {  	s19 =	simm.s32 $0xA000  }
0x1d: {  	[tilespmem:s19], [sflag:$0x7] =	stream.linear.gather [hbm4b:s7+s3], $0x2000, $0x38;
	[tilespmem:$0x18100] =	vst v63  }
0x1e: {  	s18 =	simm.s32 $0x4000  }
0x1f: {  	[tilespmem:s18], [sflag:$0x4] =	stream.linear.gather [hbm4b:s8+s3], $0x2000, $0x38;
	[tilespmem:$0x18100] =	vst v63  }
0x20: {  	s19 =	simm.s32 $0xC000  }
0x21: {  	[tilespmem:s19], [sflag:$0x8] =	stream.linear.gather [hbm4b:s9+s3], $0x2000, $0x38;
	[tilespmem:$0x18100] =	vst v63  }
0x22: {  	_ = 	snop  }
0x23: {  	[tilespmem:s20], [sflag:$0x5] =	stream.linear.gather [hbm4b:s10+s3], $0x2000, $0x38;
	[tilespmem:$0x18100] =	vst v63  }
0x24: {  	s17 =	simm.s32 $0x10140  }
0x25: {  	[tilespmem:s21], [sflag:$0x9] =	stream.linear.gather [hbm4b:s11+s3], $0x2000, $0x38;
	[tilespmem:$0x18100] =	vst v63  }
0x26: {  	[tilespmem:s17+$0xFFFFFFC0] =	vst v0  }
0x27: {  	[tilespmem:s17+$0x30] =	vst v0  }
0x28: {  	[tilespmem:s17+$0x20] =	vst v0  }
0x29: {  	[tilespmem:s17+$0x10] =	vst v0  }
0x2a: {  	[tilespmem:s17+$0x0] =	vst v0  }
0x2b: {  	[tilespmem:s17+$0xFFFFFFF0] =	vst v0  }
0x2c: {  	s18 =	simm.s32 $0x0;
	[tilespmem:s17+$0xFFFFFFE0] =	vst v0  }
.LBB2_2:
0x2d: {  	s18 =	sadd.s32 $0x8, s18;
	[tilespmem:s17+$0xFFFFFFD0] =	vst v0;
	s17 =	sadd.s32 $0x80, s17  }
0x2e: {  	[tilespmem:s17+$0xFFFFFFC0] =	vst v0;
	p0 =	slt.u32 s18, $0x7F8  }
0x2f: {  	[tilespmem:s17+$0x30] =	vst v0  }
.Ltmp0:
0x30: {  	[tilespmem:s17+$0x20] =	vst v0;
	(pc) =	sbr.rel @p0 .LBB2_2-.Ltmp0, $4  }
0x31: {  	[tilespmem:s17+$0x10] =	vst v0  }
0x32: {  	[tilespmem:s17+$0x0] =	vst v0  }
0x33: {  	[tilespmem:s17+$0xFFFFFFF0] =	vst v0  }
0x34: {  	[tilespmem:s17+$0xFFFFFFE0] =	vst v0  }
0x35: {  	[tilespmem:s17+$0xFFFFFFD0] =	vst v0  }
0x36: {  	_ =	swait.ge [sflag:s22], $0x80  }
0x37: {  	[sflag:s22] =	ssyncset.done $0x0  }
0x38: {  	[sflag:s22] =	ssyncadd.s32 $0xFFFFFF80  }
0x39: {  	_ =	swait.ge [sflag:s23], $0x2000  }
0x3a: {  	[sflag:s23] =	ssyncset.done $0x0  }
0x3b: {  	[sflag:s23] =	ssyncadd.s32 $0xFFFFE000  }
0x3c: {  	_ =	swait.ge [sflag:s24], $0x2000  }
0x3d: {  	[sflag:s24] =	ssyncset.done $0x0  }
0x3e: {  	s19 =	simm.s32 $0x20;
	[sflag:s24] =	ssyncadd.s32 $0xFFFFE000  }
0x3f: {  	v1 =	vld [tilespmem:s19+$0xFFFFFFE0];
	_ =	sdelay $0x6  }
0x40: {  	v3 =	vld [tilespmem:s19+$0x10]  }
0x41: {  	v5 =	vld.idx.msk [tilespmem:v1+s14+$0x0], $0xffff;
	_ =	sdelay $0x1  }
0x42: {  	v4 =	vld [tilespmem:s19+$0xFFFFFFF0]  }
0x43: {  	s18 =	simm.s32 $0x8020;
	v7 =	vld [tilespmem:s19+$0x0]  }
0x44: {  	v12 =	vld [tilespmem:s18+$0xFFFFFFE1]  }
0x45: {  	v9 =	vld [tilespmem:s18+$0xFFFFFFE0];
	(xrf2) =	vadd.scan.msk.f32 $0xffff, v5  }
0x46: {  	v2 =	vld [tilespmem:s18+$0x11]  }
0x47: {  	v13 =	vld.idx.msk [tilespmem:v3+s14+$0x0], $0xffff  }
0x48: {  	v6 =	vld [tilespmem:s18+$0x10]  }
0x49: {  	v1 =	vld [tilespmem:s18+$0x1]  }
0x4a: {  	vm2 =	vne.s32 v9, v12;
	v14 =	vld.idx.msk [tilespmem:v4+s14+$0x0], $0xffff  }
0x4b: {  	vm3 =	vmor vm2, vm0;
	v7 =	vld.idx.msk [tilespmem:v7+s14+$0x0], $0xffff  }
0x4c: {  	v4 =	vld [tilespmem:s18+$0x0];
	(xrf2) =	vadd.scan.msk.f32 $0xffff, v13  }
0x4d: {  	vm4 =	vmand vm2, vm1;
	v3 =	vld [tilespmem:s18+$0xFFFFFFF1]  }
0x4e: {  	v5 =	vld [tilespmem:s18+$0xFFFFFFF0];
	s18 =	simm.s32 $0x60  }
0x4f: {  	v8 =	vld [tilespmem:s18+$0xFFFFFFF0];
	v15, _, _ =	vpop (xrf2);
	(xrf2) =	vadd.scan.msk.f32 $0xffff, v14  }
0x50: {  	vm6 =	vne.s32 v6, v2;
	v11 =	vld [tilespmem:s18+$0xFFFFFFE0]  }
0x51: {  	[tilespmem:v9+s25+$0x0] =	vst.idx.add.f32.msk vm3, v15;
	v15 =	vsub.f32 $0.0e+00, v15;
	vm3 =	vmor vm6, vm0  }
0x52: {  	v10 =	vld [tilespmem:s18+$0x10];
	(xrf2) =	vadd.scan.msk.f32 $0xffff, v7  }
0x53: {  	[tilespmem:v12+s25+$0x0] =	vst.idx.add.f32.msk vm4, v15;
	vm4 =	vmand vm6, vm1  }
0x54: {  	s17 =	simm.s32 $0x8060;
	v9 =	vld [tilespmem:s18+$0x0]  }
0x55: {  	s19 =	simm.s32 $0x4;
	vm2 =	vne.s32 v4, v1;
	vm5 =	vne.s32 v5, v3;
	v7 =	vld [tilespmem:s17+$0x1]  }
.LBB2_4:
0x56: {  	s19 =	sadd.s32 $0x4, s19;
	v12 =	vld [tilespmem:s17+$0x11];
	v13, _, _ =	vpop (xrf2)  }
0x57: {  	vm6 =	vmor vm5, vm0;
	p0 =	slt.u32 s19, $0x1FC;
	[tilespmem:v6+s25+$0x0] =	vst.idx.add.f32.msk vm3, v13;
	v13 =	vsub.f32 $0.0e+00, v13  }
0x58: {  	vm3 =	vmor vm2, vm0;
	v11 =	vld.idx.msk [tilespmem:v11+s14+$0x0], $0xffff  }
0x59: {  	vm5 =	vmand vm5, vm1;
	vm2 =	vmand vm2, vm1;
	[tilespmem:v2+s25+$0x0] =	vst.idx.add.f32.msk vm4, v13;
	v6, _, _ =	vpop (xrf2)  }
0x5a: {  	v13 =	vld [tilespmem:s17+$0xFFFFFFE1]  }
0x5b: {  	v10 =	vld.idx.msk [tilespmem:v10+s14+$0x0], $0xffff;
	v2 =	vmov v12  }
0x5c: {  	v12 =	vld [tilespmem:s17+$0xFFFFFFE0];
	v14, _, _ =	vpop (xrf2)  }
0x5d: {  	[tilespmem:v5+s25+$0x0] =	vst.idx.add.f32.msk vm6, v6;
	v5 =	vsub.f32 $0.0e+00, v6;
	v6 =	vsub.f32 $0.0e+00, v14  }
0x5e: {  	[tilespmem:v4+s25+$0x0] =	vst.idx.add.f32.msk vm3, v14  }
0x5f: {  	(xrf2) =	vadd.scan.msk.f32 $0xffff, v11;
	[tilespmem:v1+s25+$0x0] =	vst.idx.add.f32.msk vm2, v6;
	v1 =	vmov v7  }
0x60: {  	[tilespmem:v3+s25+$0x0] =	vst.idx.add.f32.msk vm5, v5  }
0x61: {  	v7 =	vld.idx.msk [tilespmem:v8+s14+$0x0], $0xffff  }
0x62: {  	v6 =	vld [tilespmem:s17+$0x10]  }
0x63: {  	v14 =	vld.idx.msk [tilespmem:v9+s14+$0x0], $0xffff  }
0x64: {  	vm2 =	vne.s32 v12, v13;
	v4 =	vld [tilespmem:s17+$0x0];
	(xrf2) =	vadd.scan.msk.f32 $0xffff, v10  }
0x65: {  	vm4 =	vmor vm2, vm0;
	v3 =	vld [tilespmem:s17+$0xFFFFFFF1]  }
0x66: {  	s18 =	sadd.s32 $0x40, s18;
	vm6 =	vmand vm2, vm1;
	v5 =	vld [tilespmem:s17+$0xFFFFFFF0]  }
0x67: {  	v8 =	vld [tilespmem:s18+$0xFFFFFFF0];
	(xrf2) =	vadd.scan.msk.f32 $0xffff, v7  }
0x68: {  	vm7 =	vne.s32 v6, v2;
	v11 =	vld [tilespmem:s18+$0xFFFFFFE0]  }
.Ltmp1:
0x69: {  	vm3 =	vmor vm7, vm0;
	v10 =	vld [tilespmem:s18+$0x10];
	vm2 =	vne.s32 v4, v1;
	v7, _, _ =	vpop (xrf2);
	(pc) =	sbr.rel @p0 .LBB2_4-.Ltmp1, $4  }
0x6a: {  	v9 =	vld [tilespmem:s18+$0x0];
	v15 =	vsub.f32 $0.0e+00, v7;
	(xrf2) =	vadd.scan.msk.f32 $0xffff, v14  }
0x6b: {  	[tilespmem:v12+s25+$0x0] =	vst.idx.add.f32.msk vm4, v7;
	vm5 =	vne.s32 v5, v3;
	vm4 =	vmand vm7, vm1  }
0x6c: {  	s17 =	sadd.s32 $0x40, s17;
	[tilespmem:v13+s25+$0x0] =	vst.idx.add.f32.msk vm6, v15  }
0x6d: {  	v7 =	vld [tilespmem:s17+$0x1]  }
0x6e: {  	_ =	sdelay $0x3  }
0x6f: {  	v11 =	vld.idx.msk [tilespmem:v11+s14+$0x0], $0xffff  }
0x70: {  	v12 =	vld [tilespmem:s17+$0xFFFFFFE1]  }
0x71: {  	v10 =	vld.idx.msk [tilespmem:v10+s14+$0x0], $0xffff  }
0x72: {  	v13 =	vld [tilespmem:s17+$0xFFFFFFE0]  }
0x73: {  	v8 =	vld.idx.msk [tilespmem:v8+s14+$0x0], $0xffff  }
0x74: {  	v14 =	vld [tilespmem:s17+$0x10];
	(xrf2) =	vadd.scan.msk.f32 $0xffff, v11  }
0x75: {  	v9 =	vld.idx.msk [tilespmem:v9+s14+$0x0], $0xffff  }
0x76: {  	vm7 =	vmor vm5, vm0;
	v16 =	vld [tilespmem:s17+$0xFFFFFFF0];
	(xrf2) =	vadd.scan.msk.f32 $0xffff, v10  }
0x77: {  	vm6 =	vmor vm2, vm0;
	v11 =	vld [tilespmem:s17+$0x11]  }
0x78: {  	v15, _, _ =	vpop (xrf2);
	vm2 =	vmand vm2, vm1;
	v10 =	vld [tilespmem:s17+$0xFFFFFFF1]  }
0x79: {  	vm5 =	vmand vm5, vm1;
	v17 =	vld [tilespmem:s17+$0x0];
	vm8 =	vne.s32 v13, v12;
	(xrf2) =	vadd.scan.msk.f32 $0xffff, v8;
	v8 =	vsub.f32 $0.0e+00, v15  }
0x7a: {  	[tilespmem:v6+s25+$0x0] =	vst.idx.add.f32.msk vm3, v15;
	vm3 =	vmor vm8, vm0;
	(xrf2) =	vadd.scan.msk.f32 $0xffff, v9;
	v9, _, _ =	vpop (xrf2)  }
0x7b: {  	v6, _, _ =	vpop (xrf2);
	[tilespmem:v2+s25+$0x0] =	vst.idx.add.f32.msk vm4, v8;
	vm4 =	vmand vm8, vm1  }
0x7c: {  	[tilespmem:v5+s25+$0x0] =	vst.idx.add.f32.msk vm7, v9;
	vm15 =	vne.s32 v14, v11;
	v2 =	vsub.f32 $0.0e+00, v6  }
0x7d: {  	[tilespmem:v4+s25+$0x0] =	vst.idx.add.f32.msk vm6, v6;
	v4 =	vsub.f32 $0.0e+00, v9;
	vm6 =	vmor vm15, vm0;
	vm7 =	vne.s32 v16, v10  }
0x7e: {  	[tilespmem:v1+s25+$0x0] =	vst.idx.add.f32.msk vm2, v2;
	vm9 =	vmor vm7, vm0;
	v5, _, _ =	vpop (xrf2)  }
0x7f: {  	vm8 =	vmand vm15, vm1;
	[tilespmem:v3+s25+$0x0] =	vst.idx.add.f32.msk vm5, v4;
	v1 =	vsub.f32 $0.0e+00, v5  }
0x80: {  	vm2 =	vne.s32 v17, v7;
	[tilespmem:v13+s25+$0x0] =	vst.idx.add.f32.msk vm3, v5;
	v2, _, _ =	vpop (xrf2);
	vm3 =	vmand vm7, vm1  }
0x81: {  	vm5 =	vmor vm2, vm0;
	[tilespmem:v12+s25+$0x0] =	vst.idx.add.f32.msk vm4, v1;
	v1 =	vsub.f32 $0.0e+00, v2  }
0x82: {  	vm2 =	vmand vm2, vm1  }
0x83: {  	[tilespmem:v14+s25+$0x0] =	vst.idx.add.f32.msk vm6, v2;
	v2, _, _ =	vpop (xrf2)  }
0x84: {  	[tilespmem:v16+s25+$0x0] =	vst.idx.add.f32.msk vm9, v2;
	v2 =	vsub.f32 $0.0e+00, v2  }
0x85: {  	[tilespmem:v11+s25+$0x0] =	vst.idx.add.f32.msk vm8, v1;
	v1, _, _ =	vpop (xrf2)  }
0x86: {  	[tilespmem:v10+s25+$0x0] =	vst.idx.add.f32.msk vm3, v2;
	v3 =	vsub.f32 $0.0e+00, v1  }
0x87: {  	[tilespmem:v17+s25+$0x0] =	vst.idx.add.f32.msk vm5, v1  }
0x88: {  	[tilespmem:v7+s25+$0x0] =	vst.idx.add.f32.msk vm2, v3  }
0x89: {  	_ =	swait.ge [sflag:s26], $0x2000  }
0x8a: {  	[sflag:s26] =	ssyncset.done $0x0  }
0x8b: {  	[sflag:s26] =	ssyncadd.s32 $0xFFFFE000  }
0x8c: {  	_ =	swait.ge [sflag:s28], $0x2000  }
0x8d: {  	[sflag:s28] =	ssyncset.done $0x0  }
0x8e: {  	s19 =	simm.s32 $0x2030;
	[sflag:s28] =	ssyncadd.s32 $0xFFFFE000  }
0x8f: {  	v1 =	vld [tilespmem:s19+$0xFFFFFFD0];
	_ =	sdelay $0x7  }
0x90: {  	v5 =	vld.idx.msk [tilespmem:v1+s14+$0x0], $0xffff;
	_ =	sdelay $0x1  }
0x91: {  	v3 =	vld [tilespmem:s19+$0x0];
	_ =	sdelay $0x2  }
0x92: {  	v4 =	vld [tilespmem:s19+$0xFFFFFFE0];
	(xrf2) =	vadd.scan.msk.f32 $0xffff, v5  }
0x93: {  	s18 =	simm.s32 $0xA031;
	v7 =	vld [tilespmem:s19+$0xFFFFFFF0]  }
0x94: {  	v60 =	vld [tilespmem:s18+$0xFFFFFFD0]  }
0x95: {  	v9 =	vld [tilespmem:s18+$0xFFFFFFCF]  }
0x96: {  	v2 =	vld [tilespmem:s18+$0x0]  }
0x97: {  	v61 =	vld.idx.msk [tilespmem:v3+s14+$0x0], $0xffff  }
0x98: {  	v6 =	vld [tilespmem:s18+$0xFFFFFFFF]  }
0x99: {  	v1 =	vld [tilespmem:s18+$0xFFFFFFF0]  }
0x9a: {  	vm2 =	vne.s32 v9, v60;
	v62 =	vld.idx.msk [tilespmem:v4+s14+$0x0], $0xffff  }
0x9b: {  	vm3 =	vmor vm2, vm0;
	v7 =	vld.idx.msk [tilespmem:v7+s14+$0x0], $0xffff  }
0x9c: {  	v4 =	vld [tilespmem:s18+$0xFFFFFFEF];
	v63, _, _ =	vpop (xrf2);
	(xrf2) =	vadd.scan.msk.f32 $0xffff, v61  }
0x9d: {  	vm4 =	vmand vm2, vm1;
	v3 =	vld [tilespmem:s18+$0xFFFFFFE0]  }
0x9e: {  	v5 =	vld [tilespmem:s18+$0xFFFFFFDF];
	s18 =	simm.s32 $0x2070  }
0x9f: {  	v8 =	vld [tilespmem:s18+$0xFFFFFFE0];
	(xrf2) =	vadd.scan.msk.f32 $0xffff, v62  }
0xa0: {  	vm6 =	vne.s32 v6, v2;
	v11 =	vld [tilespmem:s18+$0xFFFFFFD0]  }
0xa1: {  	[tilespmem:v9+s25+$0x0] =	vst.idx.add.f32.msk vm3, v63;
	v15 =	vsub.f32 $0.0e+00, v63;
	vm3 =	vmor vm6, vm0  }
0xa2: {  	v10 =	vld [tilespmem:s18+$0x0];
	(xrf2) =	vadd.scan.msk.f32 $0xffff, v7  }
0xa3: {  	[tilespmem:v60+s25+$0x0] =	vst.idx.add.f32.msk vm4, v15;
	vm4 =	vmand vm6, vm1  }
0xa4: {  	s17 =	simm.s32 $0xA071;
	v9 =	vld [tilespmem:s18+$0xFFFFFFF0]  }
0xa5: {  	s19 =	simm.s32 $0x204;
	vm2 =	vne.s32 v4, v1;
	vm5 =	vne.s32 v5, v3;
	v7 =	vld [tilespmem:s17+$0xFFFFFFF0]  }
.LBB2_6:
0xa6: {  	s19 =	sadd.s32 $0x4, s19;
	v12 =	vld [tilespmem:s17+$0x0];
	v13, _, _ =	vpop (xrf2)  }
0xa7: {  	vm6 =	vmor vm5, vm0;
	p0 =	slt.u32 s19, $0x3FC;
	[tilespmem:v6+s25+$0x0] =	vst.idx.add.f32.msk vm3, v13;
	v13 =	vsub.f32 $0.0e+00, v13  }
0xa8: {  	vm3 =	vmor vm2, vm0;
	v11 =	vld.idx.msk [tilespmem:v11+s14+$0x0], $0xffff  }
0xa9: {  	vm5 =	vmand vm5, vm1;
	vm2 =	vmand vm2, vm1;
	[tilespmem:v2+s25+$0x0] =	vst.idx.add.f32.msk vm4, v13;
	v6, _, _ =	vpop (xrf2)  }
0xaa: {  	v13 =	vld [tilespmem:s17+$0xFFFFFFD0]  }
0xab: {  	v10 =	vld.idx.msk [tilespmem:v10+s14+$0x0], $0xffff;
	v2 =	vmov v12  }
0xac: {  	v12 =	vld [tilespmem:s17+$0xFFFFFFCF];
	v14, _, _ =	vpop (xrf2)  }
0xad: {  	[tilespmem:v5+s25+$0x0] =	vst.idx.add.f32.msk vm6, v6;
	v5 =	vsub.f32 $0.0e+00, v6;
	v6 =	vsub.f32 $0.0e+00, v14  }
0xae: {  	[tilespmem:v4+s25+$0x0] =	vst.idx.add.f32.msk vm3, v14  }
0xaf: {  	(xrf2) =	vadd.scan.msk.f32 $0xffff, v11;
	[tilespmem:v1+s25+$0x0] =	vst.idx.add.f32.msk vm2, v6;
	v1 =	vmov v7  }
0xb0: {  	[tilespmem:v3+s25+$0x0] =	vst.idx.add.f32.msk vm5, v5  }
0xb1: {  	v7 =	vld.idx.msk [tilespmem:v8+s14+$0x0], $0xffff  }
0xb2: {  	v6 =	vld [tilespmem:s17+$0xFFFFFFFF]  }
0xb3: {  	v14 =	vld.idx.msk [tilespmem:v9+s14+$0x0], $0xffff  }
0xb4: {  	vm2 =	vne.s32 v12, v13;
	v4 =	vld [tilespmem:s17+$0xFFFFFFEF];
	(xrf2) =	vadd.scan.msk.f32 $0xffff, v10  }
0xb5: {  	vm4 =	vmor vm2, vm0;
	v3 =	vld [tilespmem:s17+$0xFFFFFFE0]  }
0xb6: {  	s18 =	sadd.s32 $0x40, s18;
	vm6 =	vmand vm2, vm1;
	v5 =	vld [tilespmem:s17+$0xFFFFFFDF]  }
0xb7: {  	v8 =	vld [tilespmem:s18+$0xFFFFFFE0];
	(xrf2) =	vadd.scan.msk.f32 $0xffff, v7  }
0xb8: {  	vm7 =	vne.s32 v6, v2;
	v11 =	vld [tilespmem:s18+$0xFFFFFFD0]  }
.Ltmp2:
0xb9: {  	vm3 =	vmor vm7, vm0;
	v10 =	vld [tilespmem:s18+$0x0];
	vm2 =	vne.s32 v4, v1;
	v7, _, _ =	vpop (xrf2);
	(pc) =	sbr.rel @p0 .LBB2_6-.Ltmp2, $4  }
0xba: {  	v9 =	vld [tilespmem:s18+$0xFFFFFFF0];
	v15 =	vsub.f32 $0.0e+00, v7;
	(xrf2) =	vadd.scan.msk.f32 $0xffff, v14  }
0xbb: {  	[tilespmem:v12+s25+$0x0] =	vst.idx.add.f32.msk vm4, v7;
	vm5 =	vne.s32 v5, v3;
	vm4 =	vmand vm7, vm1  }
0xbc: {  	s17 =	sadd.s32 $0x40, s17;
	[tilespmem:v13+s25+$0x0] =	vst.idx.add.f32.msk vm6, v15  }
0xbd: {  	v7 =	vld [tilespmem:s17+$0xFFFFFFF0]  }
0xbe: {  	_ =	sdelay $0x3  }
0xbf: {  	v11 =	vld.idx.msk [tilespmem:v11+s14+$0x0], $0xffff  }
0xc0: {  	v12 =	vld [tilespmem:s17+$0xFFFFFFD0]  }
0xc1: {  	v10 =	vld.idx.msk [tilespmem:v10+s14+$0x0], $0xffff  }
0xc2: {  	v13 =	vld [tilespmem:s17+$0xFFFFFFCF]  }
0xc3: {  	v8 =	vld.idx.msk [tilespmem:v8+s14+$0x0], $0xffff  }
0xc4: {  	v14 =	vld [tilespmem:s17+$0xFFFFFFFF];
	(xrf2) =	vadd.scan.msk.f32 $0xffff, v11  }
0xc5: {  	v9 =	vld.idx.msk [tilespmem:v9+s14+$0x0], $0xffff  }
0xc6: {  	vm6 =	vmor vm5, vm0;
	v16 =	vld [tilespmem:s17+$0xFFFFFFDF];
	(xrf2) =	vadd.scan.msk.f32 $0xffff, v10  }
0xc7: {  	vm7 =	vmor vm2, vm0;
	v11 =	vld [tilespmem:s17+$0x0]  }
0xc8: {  	v15, _, _ =	vpop (xrf2);
	vm5 =	vmand vm5, vm1;
	v10 =	vld [tilespmem:s17+$0xFFFFFFE0]  }
0xc9: {  	vm2 =	vmand vm2, vm1;
	v17 =	vld [tilespmem:s17+$0xFFFFFFEF];
	vm8 =	vne.s32 v13, v12;
	(xrf2) =	vadd.scan.msk.f32 $0xffff, v8;
	v8 =	vsub.f32 $0.0e+00, v15  }
0xca: {  	[tilespmem:v6+s25+$0x0] =	vst.idx.add.f32.msk vm3, v15;
	vm3 =	vmor vm8, vm0;
	(xrf2) =	vadd.scan.msk.f32 $0xffff, v9;
	v9, _, _ =	vpop (xrf2)  }
0xcb: {  	v6, _, _ =	vpop (xrf2);
	[tilespmem:v2+s25+$0x0] =	vst.idx.add.f32.msk vm4, v8;
	vm4 =	vmand vm8, vm1  }
0xcc: {  	[tilespmem:v5+s25+$0x0] =	vst.idx.add.f32.msk vm6, v9;
	v5 =	vsub.f32 $0.0e+00, v9;
	vm8 =	vne.s32 v14, v11;
	v2 =	vsub.f32 $0.0e+00, v6  }
0xcd: {  	[tilespmem:v4+s25+$0x0] =	vst.idx.add.f32.msk vm7, v6;
	vm6 =	vmor vm8, vm0;
	vm7 =	vne.s32 v16, v10  }
0xce: {  	[tilespmem:v3+s25+$0x0] =	vst.idx.add.f32.msk vm5, v5;
	vm9 =	vmor vm7, vm0;
	v4, _, _ =	vpop (xrf2)  }
0xcf: {  	vm8 =	vmand vm8, vm1;
	[tilespmem:v1+s25+$0x0] =	vst.idx.add.f32.msk vm2, v2;
	v1 =	vsub.f32 $0.0e+00, v4  }
0xd0: {  	vm2 =	vne.s32 v17, v7;
	[tilespmem:v13+s25+$0x0] =	vst.idx.add.f32.msk vm3, v4;
	v2, _, _ =	vpop (xrf2);
	vm3 =	vmand vm7, vm1  }
0xd1: {  	vm5 =	vmor vm2, vm0;
	[tilespmem:v12+s25+$0x0] =	vst.idx.add.f32.msk vm4, v1;
	v1 =	vsub.f32 $0.0e+00, v2  }
0xd2: {  	vm2 =	vmand vm2, vm1  }
0xd3: {  	[tilespmem:v14+s25+$0x0] =	vst.idx.add.f32.msk vm6, v2;
	v2, _, _ =	vpop (xrf2)  }
0xd4: {  	[tilespmem:v16+s25+$0x0] =	vst.idx.add.f32.msk vm9, v2;
	v2 =	vsub.f32 $0.0e+00, v2  }
0xd5: {  	[tilespmem:v11+s25+$0x0] =	vst.idx.add.f32.msk vm8, v1;
	v1, _, _ =	vpop (xrf2)  }
0xd6: {  	[tilespmem:v10+s25+$0x0] =	vst.idx.add.f32.msk vm3, v2;
	v3 =	vsub.f32 $0.0e+00, v1  }
0xd7: {  	[tilespmem:v17+s25+$0x0] =	vst.idx.add.f32.msk vm5, v1  }
0xd8: {  	[tilespmem:v7+s25+$0x0] =	vst.idx.add.f32.msk vm2, v3  }
0xd9: {  	_ =	swait.ge [sflag:s29], $0x2000  }
0xda: {  	[sflag:s29] =	ssyncset.done $0x0  }
0xdb: {  	[sflag:s29] =	ssyncadd.s32 $0xFFFFE000  }
0xdc: {  	_ =	swait.ge [sflag:s30], $0x2000  }
0xdd: {  	[sflag:s30] =	ssyncset.done $0x0  }
0xde: {  	s18 =	simm.s32 $0x0;
	[sflag:s30] =	ssyncadd.s32 $0xFFFFE000  }
0xdf: {  	v1 =	vld [tilespmem:s18+$0x4000];
	_ =	sdelay $0x1  }
0xe0: {  	v2 =	vld [tilespmem:s18+$0x4010]  }
0xe1: {  	v3 =	vld [tilespmem:s18+$0x4020]  }
0xe2: {  	v4 =	vld [tilespmem:s18+$0x4030]  }
0xe3: {  	v5 =	vld [tilespmem:s18+$0xC010]  }
0xe4: {  	v6 =	vld [tilespmem:s18+$0xC011]  }
0xe5: {  	v12 =	vld [tilespmem:s18+$0xC001]  }
0xe6: {  	v1 =	vld.idx.msk [tilespmem:v1+s14+$0x0], $0xffff  }
0xe7: {  	v7 =	vld [tilespmem:s18+$0xC000]  }
0xe8: {  	v2 =	vld.idx.msk [tilespmem:v2+s14+$0x0], $0xffff  }
0xe9: {  	v13 =	vld [tilespmem:s18+$0xC031]  }
0xea: {  	s19 =	simm.s32 $0x40;
	v14 =	vld [tilespmem:s18+$0xC030]  }
0xeb: {  	v9 =	vld [tilespmem:s19+$0x4010];
	(xrf2) =	vadd.scan.msk.f32 $0xffff, v1  }
0xec: {  	v10 =	vld [tilespmem:s19+$0x4000]  }
0xed: {  	v15 =	vld [tilespmem:s18+$0xC020];
	(xrf2) =	vadd.scan.msk.f32 $0xffff, v2  }
0xee: {  	v11 =	vld [tilespmem:s19+$0x4020]  }
0xef: {  	v60 =	vld [tilespmem:s19+$0x4030]  }
0xf0: {  	v4 =	vld.idx.msk [tilespmem:v4+s14+$0x0], $0xffff  }
0xf1: {  	vm2 =	vne.s32 v7, v12;
	v8 =	vld.idx.msk [tilespmem:v3+s14+$0x0], $0xffff  }
0xf2: {  	vm3 =	vne.s32 v5, v6;
	vm4 =	vmor vm2, vm0;
	v3 =	vld [tilespmem:s19+$0xC010]  }
0xf3: {  	vm5 =	vmor vm3, vm0;
	v19 =	vld.idx.msk [tilespmem:v9+s14+$0x0], $0xffff  }
0xf4: {  	vm3 =	vmand vm3, vm1;
	v20 =	vld.idx.msk [tilespmem:v10+s14+$0x0], $0xffff  }
0xf5: {  	v10 =	vld [tilespmem:s19+$0xC021];
	v61, _, _ =	vpop (xrf2);
	(xrf2) =	vadd.scan.msk.f32 $0xffff, v4  }
0xf6: {  	v1 =	vld [tilespmem:s18+$0xC021]  }
0xf7: {  	v2 =	vld [tilespmem:s19+$0xC011];
	v18, _, _ =	vpop (xrf2)  }
0xf8: {  	[tilespmem:v7+s25+$0x0] =	vst.idx.add.f32.msk vm4, v61;
	v4 =	vsub.f32 $0.0e+00, v18  }
0xf9: {  	(xrf2) =	vadd.scan.msk.f32 $0xffff, v8;
	vm4 =	vne.s32 v14, v13;
	[tilespmem:v5+s25+$0x0] =	vst.idx.add.f32.msk vm5, v18  }
0xfa: {  	[tilespmem:v6+s25+$0x0] =	vst.idx.add.f32.msk vm3, v4;
	vm3 =	vmor vm4, vm0  }
0xfb: {  	v7 =	vld.idx.msk [tilespmem:v11+s14+$0x0], $0xffff  }
0xfc: {  	v8 =	vld [tilespmem:s19+$0xC001]  }
0xfd: {  	v5 =	vld [tilespmem:s19+$0xC030];
	vm5 =	vmand vm4, vm1  }
0xfe: {  	vm2 =	vmand vm2, vm1;
	(xrf2) =	vadd.scan.msk.f32 $0xffff, v20;
	v4 =	vld [tilespmem:s19+$0xC031];
	vm4 =	vne.s32 v15, v1  }
0xff: {  	v6 =	vld [tilespmem:s19+$0xC020];
	vm8 =	vmor vm4, vm0;
	vm4 =	vmand vm4, vm1;
	v62, _, _ =	vpop (xrf2)  }
0x100: {  	[tilespmem:v14+s25+$0x0] =	vst.idx.add.f32.msk vm3, v62;
	vm3 =	vmmov vm4  }
0x101: {  	v11 =	vld [tilespmem:s19+$0xC000];
	v63 =	vsub.f32 $0.0e+00, v62  }
0x102: {  	v9 =	vld.idx.msk [tilespmem:v60+s14+$0x0], $0xffff;
	v17 =	vsub.f32 $0.0e+00, v61  }
0x103: {  	vm6 =	vne.s32 v5, v4;
	(xrf2) =	vadd.scan.msk.f32 $0xffff, v19;
	[tilespmem:v13+s25+$0x0] =	vst.idx.add.f32.msk vm5, v63;
	v13, _, _ =	vpop (xrf2)  }
0x104: {  	[tilespmem:v12+s25+$0x0] =	vst.idx.add.f32.msk vm2, v17;
	vm4 =	vne.s32 v3, v2;
	vm5 =	vne.s32 v6, v10;
	v12 =	vsub.f32 $0.0e+00, v13  }
0x105: {  	s17 =	simm.s32 $0x404;
	s18 =	simm.s32 $0x200;
	vm2 =	vmor vm5, vm0;
	vm7 =	vmand vm5, vm1;
	vm5 =	vmor vm6, vm0;
	[tilespmem:v15+s25+$0x0] =	vst.idx.add.f32.msk vm8, v13  }
.LBB2_8:
0x106: {  	s19 =	sshra.s32 s18, $0x2;
	s17 =	sadd.s32 $0x4, s17;
	vm8 =	vne.s32 v11, v8;
	[tilespmem:v1+s25+$0x0] =	vst.idx.add.f32.msk vm3, v12;
	v1 =	vmov v10;
	vm3 =	vmmov vm7  }
0x107: {  	v10 =	vld [tilespmem:s19+$0x4010];
	p0 =	slt.u32 s17, $0x5FC;
	vm9 =	vmor vm8, vm0  }
0x108: {  	vm7 =	vmand vm8, vm1;
	vm8 =	vmor vm4, vm0;
	v12 =	vld [tilespmem:s19+$0x4000];
	v13, _, _ =	vpop (xrf2)  }
0x109: {  	v14 =	vld [tilespmem:s19+$0x4020]  }
0x10a: {  	v15 =	vld [tilespmem:s19+$0x4030]  }
0x10b: {  	v16 =	vld [tilespmem:s19+$0xC010]  }
0x10c: {  	v17 =	vld [tilespmem:s19+$0xC011]  }
0x10d: {  	[tilespmem:v11+s25+$0x0] =	vst.idx.add.f32.msk vm9, v13;
	vm9 =	vmand vm4, vm1;
	v11, _, _ =	vpop (xrf2)  }
0x10e: {  	[tilespmem:v3+s25+$0x0] =	vst.idx.add.f32.msk vm8, v11;
	(xrf2) =	vadd.scan.msk.f32 $0xffff, v9  }
0x10f: {  	v18 =	vld.idx.msk [tilespmem:v10+s14+$0x0], $0xffff  }
0x110: {  	v12 =	vld.idx.msk [tilespmem:v12+s14+$0x0], $0xffff;
	v3 =	vmov v16  }
0x111: {  	v10 =	vsub.f32 $0.0e+00, v11;
	vm4 =	vne.s32 v3, v17;
	(xrf2) =	vadd.scan.msk.f32 $0xffff, v7;
	v7 =	vld.idx.msk [tilespmem:v14+s14+$0x0], $0xffff  }
0x112: {  	v9 =	vld.idx.msk [tilespmem:v15+s14+$0x0], $0xffff  }
0x113: {  	[tilespmem:v2+s25+$0x0] =	vst.idx.add.f32.msk vm9, v10;
	v2 =	vmov v17  }
0x114: {  	v14 =	vld [tilespmem:s19+$0xC031]  }
0x115: {  	vm6 =	vmand vm6, vm1;
	v15 =	vld [tilespmem:s19+$0xC030]  }
0x116: {  	v10 =	vld [tilespmem:s19+$0xC021];
	(xrf2) =	vadd.scan.msk.f32 $0xffff, v12  }
0x117: {  	v16 =	vld [tilespmem:s19+$0xC020]  }
0x118: {  	v17 =	vld [tilespmem:s19+$0xC001];
	v12, _, _ =	vpop (xrf2)  }
.Ltmp3:
0x119: {  	v11 =	vld [tilespmem:s19+$0xC000];
	v19 =	vsub.f32 $0.0e+00, v12;
	(pc) =	sbr.rel @p0 .LBB2_8-.Ltmp3, $4  }
0x11a: {  	v13 =	vsub.f32 $0.0e+00, v13;
	[tilespmem:v5+s25+$0x0] =	vst.idx.add.f32.msk vm5, v12;
	v5 =	vmov v15  }
0x11b: {  	(xrf2) =	vadd.scan.msk.f32 $0xffff, v18;
	[tilespmem:v4+s25+$0x0] =	vst.idx.add.f32.msk vm6, v19;
	v15, _, _ =	vpop (xrf2);
	v4 =	vmov v14  }
0x11c: {  	vm8 =	vne.s32 v16, v10;
	vm6 =	vne.s32 v5, v4;
	[tilespmem:v8+s25+$0x0] =	vst.idx.add.f32.msk vm7, v13;
	v12 =	vsub.f32 $0.0e+00, v15  }
0x11d: {  	s18 =	sadd.s32 $0x100, s18;
	vm7 =	vmand vm8, vm1;
	vm5 =	vmor vm6, vm0;
	[tilespmem:v6+s25+$0x0] =	vst.idx.add.f32.msk vm2, v15;
	vm2 =	vmor vm8, vm0;
	v6 =	vmovc v16;
	v8 =	vmovc v17  }
0x11e: {  	(xrf2) =	vadd.scan.msk.f32 $0xffff, v9  }
0x11f: {  	vm8 =	vne.s32 v11, v8  }
0x120: {  	vm9 =	vmor vm8, vm0;
	(xrf2) =	vadd.scan.msk.f32 $0xffff, v7  }
0x121: {  	vm10 =	vmor vm4, vm0  }
0x122: {  	vm4 =	vmand vm4, vm1  }
0x123: {  	[tilespmem:v1+s25+$0x0] =	vst.idx.add.f32.msk vm3, v12;
	vm3 =	vmand vm8, vm1  }
0x124: {  	v7, _, _ =	vpop (xrf2)  }
0x125: {  	vm6 =	vmand vm6, vm1;
	v1, _, _ =	vpop (xrf2)  }
0x126: {  	[tilespmem:v11+s25+$0x0] =	vst.idx.add.f32.msk vm9, v7;
	v9 =	vsub.f32 $0.0e+00, v1  }
0x127: {  	vm7 =	vmmov vm7;
	[tilespmem:v3+s25+$0x0] =	vst.idx.add.f32.msk vm10, v1;
	v3 =	vsub.f32 $0.0e+00, v7  }
0x128: {  	v1, _, _ =	vpop (xrf2);
	[tilespmem:v2+s25+$0x0] =	vst.idx.add.f32.msk vm4, v9  }
0x129: {  	[tilespmem:v8+s25+$0x0] =	vst.idx.add.f32.msk vm3, v3;
	v2 =	vsub.f32 $0.0e+00, v1  }
0x12a: {  	[tilespmem:v5+s25+$0x0] =	vst.idx.add.f32.msk vm5, v1;
	v1, _, _ =	vpop (xrf2)  }
0x12b: {  	[tilespmem:v4+s25+$0x0] =	vst.idx.add.f32.msk vm6, v2;
	v2 =	vsub.f32 $0.0e+00, v1  }
0x12c: {  	[tilespmem:v6+s25+$0x0] =	vst.idx.add.f32.msk vm2, v1  }
0x12d: {  	[tilespmem:v10+s25+$0x0] =	vst.idx.add.f32.msk vm7, v2  }
0x12e: {  	_ =	swait.ge [sflag:s31], $0x2000  }
0x12f: {  	[sflag:s31] =	ssyncset.done $0x0  }
0x130: {  	[sflag:s31] =	ssyncadd.s32 $0xFFFFE000  }
0x131: {  	_ =	swait.ge [sflag:s0], $0x2000  }
0x132: {  	[sflag:s0] =	ssyncset.done $0x0  }
0x133: {  	s17 =	simm.s32 $0x0;
	[sflag:s0] =	ssyncadd.s32 $0xFFFFE000  }
0x134: {  	v1 =	vld [tilespmem:s17+$0x6000];
	_ =	sdelay $0x1  }
0x135: {  	v2 =	vld [tilespmem:s17+$0x6010]  }
0x136: {  	v3 =	vld [tilespmem:s17+$0x6020]  }
0x137: {  	v4 =	vld [tilespmem:s17+$0x6030]  }
0x138: {  	v5 =	vld [tilespmem:s17+$0xE010]  }
0x139: {  	v6 =	vld [tilespmem:s17+$0xE011]  }
0x13a: {  	v12 =	vld [tilespmem:s17+$0xE001]  }
0x13b: {  	v1 =	vld.idx.msk [tilespmem:v1+s14+$0x0], $0xffff  }
0x13c: {  	v7 =	vld [tilespmem:s17+$0xE000]  }
0x13d: {  	v2 =	vld.idx.msk [tilespmem:v2+s14+$0x0], $0xffff  }
0x13e: {  	v13 =	vld [tilespmem:s17+$0xE031]  }
0x13f: {  	s19 =	simm.s32 $0x40;
	v14 =	vld [tilespmem:s17+$0xE030]  }
0x140: {  	v9 =	vld [tilespmem:s19+$0x6010];
	(xrf2) =	vadd.scan.msk.f32 $0xffff, v1  }
0x141: {  	v10 =	vld [tilespmem:s19+$0x6000]  }
0x142: {  	v15 =	vld [tilespmem:s17+$0xE020];
	(xrf2) =	vadd.scan.msk.f32 $0xffff, v2  }
0x143: {  	v11 =	vld [tilespmem:s19+$0x6020]  }
0x144: {  	v16 =	vld [tilespmem:s19+$0x6030]  }
0x145: {  	v4 =	vld.idx.msk [tilespmem:v4+s14+$0x0], $0xffff  }
0x146: {  	vm2 =	vne.s32 v7, v12;
	v8 =	vld.idx.msk [tilespmem:v3+s14+$0x0], $0xffff  }
0x147: {  	vm3 =	vne.s32 v5, v6;
	vm4 =	vmor vm2, vm0;
	v3 =	vld [tilespmem:s19+$0xE010]  }
0x148: {  	vm5 =	vmor vm3, vm0;
	v19 =	vld.idx.msk [tilespmem:v9+s14+$0x0], $0xffff  }
0x149: {  	vm3 =	vmand vm3, vm1;
	v20 =	vld.idx.msk [tilespmem:v10+s14+$0x0], $0xffff  }
0x14a: {  	v10 =	vld [tilespmem:s19+$0xE021];
	v17, _, _ =	vpop (xrf2);
	(xrf2) =	vadd.scan.msk.f32 $0xffff, v4  }
0x14b: {  	v1 =	vld [tilespmem:s17+$0xE021]  }
0x14c: {  	v2 =	vld [tilespmem:s19+$0xE011];
	v18, _, _ =	vpop (xrf2)  }
0x14d: {  	[tilespmem:v7+s25+$0x0] =	vst.idx.add.f32.msk vm4, v17;
	v4 =	vsub.f32 $0.0e+00, v18  }
0x14e: {  	(xrf2) =	vadd.scan.msk.f32 $0xffff, v8;
	vm4 =	vne.s32 v14, v13;
	[tilespmem:v5+s25+$0x0] =	vst.idx.add.f32.msk vm5, v18  }
0x14f: {  	[tilespmem:v6+s25+$0x0] =	vst.idx.add.f32.msk vm3, v4;
	vm3 =	vmor vm4, vm0  }
0x150: {  	v7 =	vld.idx.msk [tilespmem:v11+s14+$0x0], $0xffff  }
0x151: {  	v8 =	vld [tilespmem:s19+$0xE001]  }
0x152: {  	v5 =	vld [tilespmem:s19+$0xE030];
	vm5 =	vmand vm4, vm1  }
0x153: {  	vm2 =	vmand vm2, vm1;
	(xrf2) =	vadd.scan.msk.f32 $0xffff, v20;
	v4 =	vld [tilespmem:s19+$0xE031];
	vm4 =	vne.s32 v15, v1  }
0x154: {  	v6 =	vld [tilespmem:s19+$0xE020];
	vm8 =	vmor vm4, vm0;
	vm4 =	vmand vm4, vm1;
	v62, _, _ =	vpop (xrf2)  }
0x155: {  	[tilespmem:v14+s25+$0x0] =	vst.idx.add.f32.msk vm3, v62;
	vm3 =	vmmov vm4  }
0x156: {  	v11 =	vld [tilespmem:s19+$0xE000];
	v63 =	vsub.f32 $0.0e+00, v62  }
0x157: {  	v9 =	vld.idx.msk [tilespmem:v16+s14+$0x0], $0xffff;
	v17 =	vsub.f32 $0.0e+00, v17  }
0x158: {  	vm6 =	vne.s32 v5, v4;
	(xrf2) =	vadd.scan.msk.f32 $0xffff, v19;
	[tilespmem:v13+s25+$0x0] =	vst.idx.add.f32.msk vm5, v63;
	v13, _, _ =	vpop (xrf2)  }
0x159: {  	[tilespmem:v12+s25+$0x0] =	vst.idx.add.f32.msk vm2, v17;
	vm4 =	vne.s32 v3, v2;
	vm5 =	vne.s32 v6, v10;
	v12 =	vsub.f32 $0.0e+00, v13  }
0x15a: {  	s18 =	simm.s32 $0x200;
	s17 =	simm.s32 $0x604;
	vm2 =	vmor vm5, vm0;
	vm7 =	vmand vm5, vm1;
	vm5 =	vmor vm6, vm0;
	[tilespmem:v15+s25+$0x0] =	vst.idx.add.f32.msk vm8, v13  }
.LBB2_10:
0x15b: {  	s19 =	sshra.s32 s18, $0x2;
	s17 =	sadd.s32 $0x4, s17;
	vm8 =	vne.s32 v11, v8;
	[tilespmem:v1+s25+$0x0] =	vst.idx.add.f32.msk vm3, v12;
	v1 =	vmov v10;
	vm3 =	vmmov vm7  }
0x15c: {  	v10 =	vld [tilespmem:s19+$0x6010];
	p0 =	slt.u32 s17, $0x7FC;
	vm9 =	vmor vm8, vm0  }
0x15d: {  	vm7 =	vmand vm8, vm1;
	vm8 =	vmor vm4, vm0;
	v12 =	vld [tilespmem:s19+$0x6000];
	v13, _, _ =	vpop (xrf2)  }
0x15e: {  	v14 =	vld [tilespmem:s19+$0x6020]  }
0x15f: {  	v15 =	vld [tilespmem:s19+$0x6030]  }
0x160: {  	v16 =	vld [tilespmem:s19+$0xE010]  }
0x161: {  	v17 =	vld [tilespmem:s19+$0xE011]  }
0x162: {  	[tilespmem:v11+s25+$0x0] =	vst.idx.add.f32.msk vm9, v13;
	vm9 =	vmand vm4, vm1;
	v11, _, _ =	vpop (xrf2)  }
0x163: {  	[tilespmem:v3+s25+$0x0] =	vst.idx.add.f32.msk vm8, v11;
	(xrf2) =	vadd.scan.msk.f32 $0xffff, v9  }
0x164: {  	v18 =	vld.idx.msk [tilespmem:v10+s14+$0x0], $0xffff  }
0x165: {  	v12 =	vld.idx.msk [tilespmem:v12+s14+$0x0], $0xffff;
	v3 =	vmov v16  }
0x166: {  	v10 =	vsub.f32 $0.0e+00, v11;
	vm4 =	vne.s32 v3, v17;
	(xrf2) =	vadd.scan.msk.f32 $0xffff, v7;
	v7 =	vld.idx.msk [tilespmem:v14+s14+$0x0], $0xffff  }
0x167: {  	v9 =	vld.idx.msk [tilespmem:v15+s14+$0x0], $0xffff  }
0x168: {  	[tilespmem:v2+s25+$0x0] =	vst.idx.add.f32.msk vm9, v10;
	v2 =	vmov v17  }
0x169: {  	v14 =	vld [tilespmem:s19+$0xE031]  }
0x16a: {  	vm6 =	vmand vm6, vm1;
	v15 =	vld [tilespmem:s19+$0xE030]  }
0x16b: {  	v10 =	vld [tilespmem:s19+$0xE021];
	(xrf2) =	vadd.scan.msk.f32 $0xffff, v12  }
0x16c: {  	v16 =	vld [tilespmem:s19+$0xE020]  }
0x16d: {  	v17 =	vld [tilespmem:s19+$0xE001];
	v12, _, _ =	vpop (xrf2)  }
.Ltmp4:
0x16e: {  	v11 =	vld [tilespmem:s19+$0xE000];
	v19 =	vsub.f32 $0.0e+00, v12;
	(pc) =	sbr.rel @p0 .LBB2_10-.Ltmp4, $4  }
0x16f: {  	v13 =	vsub.f32 $0.0e+00, v13;
	[tilespmem:v5+s25+$0x0] =	vst.idx.add.f32.msk vm5, v12;
	v5 =	vmov v15  }
0x170: {  	(xrf2) =	vadd.scan.msk.f32 $0xffff, v18;
	[tilespmem:v4+s25+$0x0] =	vst.idx.add.f32.msk vm6, v19;
	v15, _, _ =	vpop (xrf2);
	v4 =	vmov v14  }
0x171: {  	vm8 =	vne.s32 v16, v10;
	vm6 =	vne.s32 v5, v4;
	[tilespmem:v8+s25+$0x0] =	vst.idx.add.f32.msk vm7, v13;
	v12 =	vsub.f32 $0.0e+00, v15  }
0x172: {  	s18 =	sadd.s32 $0x100, s18;
	vm7 =	vmand vm8, vm1;
	vm5 =	vmor vm6, vm0;
	[tilespmem:v6+s25+$0x0] =	vst.idx.add.f32.msk vm2, v15;
	vm2 =	vmor vm8, vm0;
	v6 =	vmovc v16;
	v8 =	vmovc v17  }
0x173: {  	(xrf2) =	vadd.scan.msk.f32 $0xffff, v9;
	_ =	sdelay $0x3  }
0x174: {  	vm10 =	vmor vm4, vm0  }
0x175: {  	vm15 =	vmand vm4, vm1;
	(xrf2) =	vadd.scan.msk.f32 $0xffff, v7  }
0x176: {  	vm8 =	vne.s32 v11, v8  }
0x177: {  	vm9 =	vmor vm8, vm0;
	v62, _, _ =	vpop (xrf2)  }
0x178: {  	v63, _, _ =	vpop (xrf2)  }
0x179: {  	vm6 =	vmand vm6, vm1;
	[tilespmem:v1+s25+$0x0] =	vst.idx.add.f32.msk vm3, v12;
	v1 =	vsub.f32 $0.0e+00, v63  }
0x17a: {  	vm3 =	vmand vm8, vm1;
	[tilespmem:v3+s25+$0x0] =	vst.idx.add.f32.msk vm10, v63;
	v3, _, _ =	vpop (xrf2)  }
0x17b: {  	[tilespmem:v2+s25+$0x0] =	vst.idx.add.f32.msk vm15, v1;
	v1 =	vsub.f32 $0.0e+00, v3  }
0x17c: {  	vm7 =	vmmov vm7  }
0x17d: {  	[tilespmem:v11+s25+$0x0] =	vst.idx.add.f32.msk vm9, v62  }
0x17e: {  	v2 =	vsub.f32 $0.0e+00, v62;
	[tilespmem:v5+s25+$0x0] =	vst.idx.add.f32.msk vm5, v3  }
0x17f: {  	[tilespmem:v4+s25+$0x0] =	vst.idx.add.f32.msk vm6, v1;
	v1, _, _ =	vpop (xrf2)  }
0x180: {  	s16 =	sadd.s32 $0x1, s16;
	[tilespmem:v8+s25+$0x0] =	vst.idx.add.f32.msk vm3, v2;
	v2 =	vsub.f32 $0.0e+00, v1  }
0x181: {  	p0 =	sne.s32 s16, s13;
	[tilespmem:v6+s25+$0x0] =	vst.idx.add.f32.msk vm2, v1  }
.Ltmp5:
0x182: {  	[tilespmem:v10+s25+$0x0] =	vst.idx.add.f32.msk vm7, v2;
	(pc) =	sbr.rel @p0 .LBB2_1-.Ltmp5, $4  }
0x183: {  	[hbm4b:s12+s2] =	stream.strided.scatter [tilespmem:s25], [sflag:$0xA], $0x8000, s1, s2, $0x38;
	[tilespmem:$0x18100] =	vst v63  }
0x184: {  	_ =	swait.ge [sflag:s15], $0x8000  }
0x185: {  	[sflag:s15] =	ssyncset.done $0x0  }
0x186: {  	[sflag:s15] =	ssyncadd.s32 $0xFFFF8000  }
0x187: {  	_ =	sfence.sel $0x180000  }
0x188: {  	[bflag:$0x0] =	sbarrier.arrive $0xFFFF  }
0x189: {  	_ =	strace $0x90000047  }
0x18a: {  	s0 =	stileid.u32;
	[bflag:$0x2] =	sbarrier.arrive $0xFFFF  }
0x18b: {  	p0 =	sne.s32 s0, $0x0;
	s0 =	rddreg [dreg:$0x4]  }
0x18c: {  	s0 =	sadd.s32 @!p0 $0x100000, s0  }
0x18d: {  	[sflag:s0] =	ssyncadd.tile.s32 @!p0 $0x1;
	_ =	shalt  }
.Lfunc_end2:
_tile_overlayer_lowered:
.L_overlay_start_2:
0x18e: {  	(tag) =	ssettag $0x2  }
0x18f: {  	s0 =	rddreg [dreg:$0x0];
	s2 =	stileid.u32  }
0x190: {  	s1 =	rddreg [dreg:$0x1];
	p0 =	sne.s32 s2, $0x0  }
0x191: {  	s3 =	rddreg [dreg:$0x2];
	[bflag:$0x3] =	sbarrier.arrive $0xFFFF;
	s2 =	simm.s32 @!p0 $0x1C0A  }
0x192: {  	[timem:s3], [sflag:s2] =	dma.local @!p0 [hbm:s0], s1  }
0x193: {  	s0 =	simm.s32 @!p0 $0xA  }
0x194: {  	_ =	swait.ge @!p0 [sflag:s0], s1  }
0x195: {  	s1 =	ssub.s32 @!p0 $0x0, s1;
	[sflag:s0] =	ssyncset.done @!p0 $0x0  }
0x196: {  	[sflag:s0] =	ssyncadd.s32 @!p0 s1  }
0x197: {  	[bflag:$0x3] =	sbarrier.arrive $0xFFFF  }
0x198: {  	_ =	shalt  }

</sc_bundles>
